<compile_context>
chip_gen: v7x
topology: tpu7x:2x2x1
jax: 0.10.2.dev20260603
libtpu: 0.0.44.dev20260713+nightly
codegen_flags: <defaults>
</compile_context>

<pallas_src>
import functools

import jax
import jax.numpy as jnp
from jax.experimental import pallas as pl
from jax.experimental.pallas import tpu as pltpu


def _combine_body(C, NJ, cd_ref, wblk_ref, ascf_ref, a1_ref, a2_ref,
                  mum1_ref, out_ref):
    mum1 = mum1_ref[0, 0]
    xdm = jax.lax.dot_general(
        wblk_ref[...], cd_ref[...],
        dimension_numbers=(((0,), (1,)), ((), ())),
        preferred_element_type=jnp.float32,
    )
    xdm = xdm + ascf_ref[...]
    s = jnp.exp(xdm)
    ii = jax.lax.broadcasted_iota(jnp.int32, (C, 1), 0)
    acc = jnp.zeros_like(s)
    for j in range(NJ):
        a1c = a1_ref[:, j:j + 1]
        a2c = a2_ref[:, j:j + 1]
        srow = s[j:j + 1, :]
        t = a1c * s + a2c * srow
        t = jnp.where(ii == j, 1.0, t)
        acc = acc + a1c * jnp.exp(mum1 * jnp.log(t))
    u = s * acc
    den = jnp.sum(u, axis=0, keepdims=True)
    out_ref[...] = jnp.log(u) - jnp.log(den)


@functools.partial(jax.jit, static_argnames=("interpret",))
def kernel(comm_data, W, phi_raw, mu_raw, asc, dm, mm, ei, interpret=False):
    B, C, F = comm_data.shape

    mu = jax.nn.sigmoid(mu_raw)
    phi = -jax.nn.softplus(phi_raw)
    inv_mu = 1.0 / mu
    am = jnp.zeros((C, C), jnp.float32).at[ei[0], ei[1]].set(
        dm[ei[0], ei[1]] ** phi)
    am = am / am.sum(axis=1, keepdims=True)
    a1 = am ** inv_mu
    a2 = a1.T
    ascf = jnp.concatenate([jnp.zeros((1,), jnp.float32), asc]) * inv_mu
    ascf = ascf.reshape(C, 1)
    wblk = jnp.kron(jnp.eye(C, dtype=jnp.float32), W.T) * inv_mu
    mum1 = (mu - 1.0).reshape(1, 1)

    cd2 = comm_data.reshape(B, C * F)

    BT = 512
    grid = (B // BT,)

    out_t = pl.pallas_call(
        functools.partial(_combine_body, C, C),
        grid=grid,
        in_specs=[
            pl.BlockSpec((BT, C * F), lambda g: (g, 0)),
            pl.BlockSpec((C * F, C), lambda g: (0, 0)),
            pl.BlockSpec((C, 1), lambda g: (0, 0)),
            pl.BlockSpec((C, C), lambda g: (0, 0)),
            pl.BlockSpec((C, C), lambda g: (0, 0)),
            pl.BlockSpec(memory_space=pltpu.SMEM),
        ],
        out_specs=pl.BlockSpec((C, BT), lambda g: (0, g)),
        out_shape=jax.ShapeDtypeStruct((C, B), jnp.float32),
        interpret=interpret,
    )(cd2, wblk, ascf, a1, a2, mum1)

    return out_t.T

# --- scband reference (transcript-rebuilt; emitter-appended) ---
"""Pipeline reference for scband-gscl-choice-7988639171253 (READ-ONLY COPY).

The authoritative reference and input builder live on the scoring server;
editing this copy changes nothing except your own understanding.
"""

import jax, jax.numpy as jnp
import numpy as np

B = 16384
C = 24
F = 128


def _build_edge_index():
    ii = np.repeat(np.arange(C), C)
    jj = np.tile(np.arange(C), C)
    mask = ii != jj
    return np.stack([ii[mask], jj[mask]]).astype(np.int64)


def setup_inputs(seed: int = 0) -> dict:
    key = jax.random.key(seed)
    k1, k2 = jax.random.split(key)
    comm_data = jax.random.normal(k1, (B, C, F), dtype=jnp.float32)
    # fc1 weight (Linear(num_features, 1, bias=False)), scaled ~ 1/sqrt(F) like torch default
    W = jax.random.normal(k2, (1, F), dtype=jnp.float32) * (1.0 / np.sqrt(F))
    phi_raw = jnp.asarray(2.0, dtype=jnp.float32)
    mu_raw = jnp.asarray(0.5, dtype=jnp.float32)
    asc = jnp.zeros((C - 1,), dtype=jnp.float32)
    idx = np.arange(C)
    dm = jnp.asarray(np.abs(idx[:, None] - idx[None, :]) + 1.0, dtype=jnp.float32)
    ei = jnp.asarray(_build_edge_index())
    E = ei.shape[1]
    mm = jnp.zeros((E, C), dtype=jnp.float32).at[jnp.arange(E), ei[0]].set(1.0)
    return {"comm_data": comm_data, "W": W, "phi_raw": phi_raw, "mu_raw": mu_raw,
            "asc": asc, "dm": dm, "mm": mm, "ei": ei}


def reference(comm_data, W, phi_raw, mu_raw, asc, dm, mm, ei):
    # x = fc1(comm_data).squeeze(-1); x[:, 1:] += asc
    x = jnp.squeeze(comm_data @ W.T, -1)  # [B, C]
    x = x.at[:, 1:].add(asc)
    mu = jax.nn.sigmoid(mu_raw)
    phi = -jax.nn.softplus(phi_raw)
    Cn = dm.shape[0]
    am = jnp.zeros((Cn, Cn), dtype=jnp.float32).at[ei[0], ei[1]].set(dm[ei[0], ei[1]] ** phi)
    am = am / am.sum(axis=1, keepdims=True)
    n_start = (am[ei[0], ei[1]] * jnp.exp(x[:, ei[0]])) ** (1.0 / mu)  # [B, E] gather
    n_end = (am[ei[1], ei[0]] * jnp.exp(x[:, ei[1]])) ** (1.0 / mu)    # [B, E] gather
    exp_utility = (n_start * (n_start + n_end) ** (mu - 1.0)) @ mm      # segment-sum via one-hot matmul
    p = exp_utility / exp_utility.sum(axis=1, keepdims=True)
    return jnp.log(p)

if __name__ == "__main__":
    import jax
    _d = setup_inputs()
    print(jax.jit(kernel)(*tuple(_d.values())))

</pallas_src>

<mosaic_0001>
module attributes {stable_mosaic.version = 14 : i64} {
  func.func @_combine_body(%arg0: i32, %arg1: memref<512x3072xf32, #tpu.memory_space<vmem>>, %arg2: memref<3072x24xf32, #tpu.memory_space<vmem>>, %arg3: memref<24x1xf32, #tpu.memory_space<vmem>>, %arg4: memref<24x24xf32, #tpu.memory_space<vmem>>, %arg5: memref<24x24xf32, #tpu.memory_space<vmem>>, %arg6: memref<1x1xf32, #tpu.memory_space<smem>>, %arg7: memref<24x512xf32, #tpu.memory_space<vmem>>) attributes {dimension_semantics = [#tpu.dimension_semantics<arbitrary>], iteration_bounds = array<i64: 32>, scalar_prefetch = 0 : i64, scratch_operands = 0 : i64, tpu.core_type = #tpu.core_type<tc>, window_params = [{transform_indices = @transform_0, window_bounds = array<i64: 512, 3072>}, {pipeline_mode = #tpu.pipeline_mode<synchronous>, transform_indices = @transform_1, window_bounds = array<i64: 3072, 24>}, {pipeline_mode = #tpu.pipeline_mode<synchronous>, transform_indices = @transform_2, window_bounds = array<i64: 24, 1>}, {pipeline_mode = #tpu.pipeline_mode<synchronous>, transform_indices = @transform_3, window_bounds = array<i64: 24, 24>}, {pipeline_mode = #tpu.pipeline_mode<synchronous>, transform_indices = @transform_4, window_bounds = array<i64: 24, 24>}, {transform_indices = @transform_5, window_bounds = array<i64: 1, 1>}, {transform_indices = @transform_6, window_bounds = array<i64: 24, 512>}]} {
    %get3A = arith.constant 0 : index
    %get3A_0 = arith.constant 0 : index
    %get3A_1 = memref.load %arg6[%get3A, %get3A_0] : memref<1x1xf32, #tpu.memory_space<smem>>
    %get3A_2 = arith.constant 0 : index
    %get3A_3 = arith.constant 0 : index
    %get3A_4 = vector.load %arg2[%get3A_2, %get3A_3] : memref<3072x24xf32, #tpu.memory_space<vmem>>, vector<3072x24xf32>
    %get3A_5 = arith.constant 0 : index
    %get3A_6 = arith.constant 0 : index
    %get3A_7 = vector.load %arg1[%get3A_5, %get3A_6] : memref<512x3072xf32, #tpu.memory_space<vmem>>, vector<512x3072xf32>
    %dot_general3A = arith.constant dense<0.000000e+00> : vector<24x512xf32>
    %dot_general3A_8 = tpu.matmul %get3A_4, %get3A_7, %dot_general3A {dimension_numbers = #tpu.dot_dimension_numbers<[0], [1], [1], [0], [0, 1, 1, 0], [], []>, transpose_lhs_hint = false} : vector<3072x24xf32>, vector<512x3072xf32>, vector<24x512xf32> -> vector<24x512xf32>
    %get3A_9 = arith.constant 0 : index
    %get3A_10 = arith.constant 0 : index
    %get3A_11 = vector.load %arg3[%get3A_9, %get3A_10] : memref<24x1xf32, #tpu.memory_space<vmem>>, vector<24x1xf32>
    %add3A = vector.broadcast %get3A_11 : vector<24x1xf32> to vector<24x512xf32>
    %add3A_12 = arith.addf %dot_general3A_8, %add3A : vector<24x512xf32>
    %exp3A = math.exp %add3A_12 : vector<24x512xf32>
    %iota3A = tpu.iota {dimensions = array<i32: 0>} : vector<24x1xi32>
    %broadcast_in_dim3A = arith.constant 0.000000e+00 : f32
    %broadcast_in_dim3A_13 = vector.broadcast %broadcast_in_dim3A : f32 to vector<24x512xf32>
    %get3A_14 = arith.constant 0 : index
    %get3A_15 = arith.constant 0 : index
    %get3A_16 = vector.load %arg4[%get3A_14, %get3A_15] : memref<24x24xf32, #tpu.memory_space<vmem>>, vector<24x1xf32>
    %get3A_17 = arith.constant 0 : index
    %get3A_18 = arith.constant 0 : index
    %get3A_19 = vector.load %arg5[%get3A_17, %get3A_18] : memref<24x24xf32, #tpu.memory_space<vmem>>, vector<24x1xf32>
    %slice3A = vector.extract_strided_slice %exp3A {offsets = [0, 0], sizes = [1, 512], strides = [1, 1]} : vector<24x512xf32> to vector<1x512xf32>
    %mul3A = vector.broadcast %get3A_16 : vector<24x1xf32> to vector<24x512xf32>
    %mul3A_20 = arith.mulf %mul3A, %exp3A : vector<24x512xf32>
    %mul3A_21 = vector.broadcast %get3A_19 : vector<24x1xf32> to vector<24x512xf32>
    %mul3A_22 = vector.broadcast %slice3A : vector<1x512xf32> to vector<24x512xf32>
    %mul3A_23 = arith.mulf %mul3A_21, %mul3A_22 : vector<24x512xf32>
    %add3A_24 = arith.addf %mul3A_20, %mul3A_23 : vector<24x512xf32>
    %eq3A = arith.constant 0 : i32
    %eq3A_25 = vector.broadcast %eq3A : i32 to vector<24x1xi32>
    %eq3A_26 = arith.cmpi eq, %iota3A, %eq3A_25 : vector<24x1xi32>
    %jit3A = arith.constant 1.000000e+00 : f32
    %broadcast_in_dim3A_27 = vector.shape_cast %eq3A_26 : vector<24x1xi1> to vector<24x1xi1>
    %broadcast_in_dim3A_28 = vector.broadcast %broadcast_in_dim3A_27 : vector<24x1xi1> to vector<24x512xi1>
    %broadcast_in_dim3A_29 = vector.broadcast %jit3A : f32 to vector<24x512xf32>
    %select_n3A = arith.select %broadcast_in_dim3A_28, %broadcast_in_dim3A_29, %add3A_24 : vector<24x512xi1>, vector<24x512xf32>
    %log3A = math.log %select_n3A : vector<24x512xf32>
    %mul3A_30 = vector.broadcast %get3A_1 : f32 to vector<24x512xf32>
    %mul3A_31 = arith.mulf %mul3A_30, %log3A : vector<24x512xf32>
    %exp3A_32 = math.exp %mul3A_31 : vector<24x512xf32>
    %mul3A_33 = vector.broadcast %get3A_16 : vector<24x1xf32> to vector<24x512xf32>
    %mul3A_34 = arith.mulf %mul3A_33, %exp3A_32 : vector<24x512xf32>
    %add3A_35 = arith.addf %broadcast_in_dim3A_13, %mul3A_34 : vector<24x512xf32>
    %get3A_36 = arith.constant 0 : index
    %get3A_37 = arith.constant 1 : index
    %get3A_38 = vector.load %arg4[%get3A_36, %get3A_37] : memref<24x24xf32, #tpu.memory_space<vmem>>, vector<24x1xf32>
    %get3A_39 = arith.constant 0 : index
    %get3A_40 = arith.constant 1 : index
    %get3A_41 = vector.load %arg5[%get3A_39, %get3A_40] : memref<24x24xf32, #tpu.memory_space<vmem>>, vector<24x1xf32>
    %slice3A_42 = vector.extract_strided_slice %exp3A {offsets = [1, 0], sizes = [1, 512], strides = [1, 1]} : vector<24x512xf32> to vector<1x512xf32>
    %mul3A_43 = vector.broadcast %get3A_38 : vector<24x1xf32> to vector<24x512xf32>
    %mul3A_44 = arith.mulf %mul3A_43, %exp3A : vector<24x512xf32>
    %mul3A_45 = vector.broadcast %get3A_41 : vector<24x1xf32> to vector<24x512xf32>
    %mul3A_46 = vector.broadcast %slice3A_42 : vector<1x512xf32> to vector<24x512xf32>
    %mul3A_47 = arith.mulf %mul3A_45, %mul3A_46 : vector<24x512xf32>
    %add3A_48 = arith.addf %mul3A_44, %mul3A_47 : vector<24x512xf32>
    %eq3A_49 = arith.constant 1 : i32
    %eq3A_50 = vector.broadcast %eq3A_49 : i32 to vector<24x1xi32>
    %eq3A_51 = arith.cmpi eq, %iota3A, %eq3A_50 : vector<24x1xi32>
    %jit3A_52 = arith.constant 1.000000e+00 : f32
    %broadcast_in_dim3A_53 = vector.shape_cast %eq3A_51 : vector<24x1xi1> to vector<24x1xi1>
    %broadcast_in_dim3A_54 = vector.broadcast %broadcast_in_dim3A_53 : vector<24x1xi1> to vector<24x512xi1>
    %broadcast_in_dim3A_55 = vector.broadcast %jit3A_52 : f32 to vector<24x512xf32>
    %select_n3A_56 = arith.select %broadcast_in_dim3A_54, %broadcast_in_dim3A_55, %add3A_48 : vector<24x512xi1>, vector<24x512xf32>
    %log3A_57 = math.log %select_n3A_56 : vector<24x512xf32>
    %mul3A_58 = vector.broadcast %get3A_1 : f32 to vector<24x512xf32>
    %mul3A_59 = arith.mulf %mul3A_58, %log3A_57 : vector<24x512xf32>
    %exp3A_60 = math.exp %mul3A_59 : vector<24x512xf32>
    %mul3A_61 = vector.broadcast %get3A_38 : vector<24x1xf32> to vector<24x512xf32>
    %mul3A_62 = arith.mulf %mul3A_61, %exp3A_60 : vector<24x512xf32>
    %add3A_63 = arith.addf %add3A_35, %mul3A_62 : vector<24x512xf32>
    %get3A_64 = arith.constant 0 : index
    %get3A_65 = arith.constant 2 : index
    %get3A_66 = vector.load %arg4[%get3A_64, %get3A_65] : memref<24x24xf32, #tpu.memory_space<vmem>>, vector<24x1xf32>
    %get3A_67 = arith.constant 0 : index
    %get3A_68 = arith.constant 2 : index
    %get3A_69 = vector.load %arg5[%get3A_67, %get3A_68] : memref<24x24xf32, #tpu.memory_space<vmem>>, vector<24x1xf32>
    %slice3A_70 = vector.extract_strided_slice %exp3A {offsets = [2, 0], sizes = [1, 512], strides = [1, 1]} : vector<24x512xf32> to vector<1x512xf32>
    %mul3A_71 = vector.broadcast %get3A_66 : vector<24x1xf32> to vector<24x512xf32>
    %mul3A_72 = arith.mulf %mul3A_71, %exp3A : vector<24x512xf32>
    %mul3A_73 = vector.broadcast %get3A_69 : vector<24x1xf32> to vector<24x512xf32>
    %mul3A_74 = vector.broadcast %slice3A_70 : vector<1x512xf32> to vector<24x512xf32>
    %mul3A_75 = arith.mulf %mul3A_73, %mul3A_74 : vector<24x512xf32>
    %add3A_76 = arith.addf %mul3A_72, %mul3A_75 : vector<24x512xf32>
    %eq3A_77 = arith.constant 2 : i32
    %eq3A_78 = vector.broadcast %eq3A_77 : i32 to vector<24x1xi32>
    %eq3A_79 = arith.cmpi eq, %iota3A, %eq3A_78 : vector<24x1xi32>
    %jit3A_80 = arith.constant 1.000000e+00 : f32
    %broadcast_in_dim3A_81 = vector.shape_cast %eq3A_79 : vector<24x1xi1> to vector<24x1xi1>
    %broadcast_in_dim3A_82 = vector.broadcast %broadcast_in_dim3A_81 : vector<24x1xi1> to vector<24x512xi1>
    %broadcast_in_dim3A_83 = vector.broadcast %jit3A_80 : f32 to vector<24x512xf32>
    %select_n3A_84 = arith.select %broadcast_in_dim3A_82, %broadcast_in_dim3A_83, %add3A_76 : vector<24x512xi1>, vector<24x512xf32>
    %log3A_85 = math.log %select_n3A_84 : vector<24x512xf32>
    %mul3A_86 = vector.broadcast %get3A_1 : f32 to vector<24x512xf32>
    %mul3A_87 = arith.mulf %mul3A_86, %log3A_85 : vector<24x512xf32>
    %exp3A_88 = math.exp %mul3A_87 : vector<24x512xf32>
    %mul3A_89 = vector.broadcast %get3A_66 : vector<24x1xf32> to vector<24x512xf32>
    %mul3A_90 = arith.mulf %mul3A_89, %exp3A_88 : vector<24x512xf32>
    %add3A_91 = arith.addf %add3A_63, %mul3A_90 : vector<24x512xf32>
    %get3A_92 = arith.constant 0 : index
    %get3A_93 = arith.constant 3 : index
    %get3A_94 = vector.load %arg4[%get3A_92, %get3A_93] : memref<24x24xf32, #tpu.memory_space<vmem>>, vector<24x1xf32>
    %get3A_95 = arith.constant 0 : index
    %get3A_96 = arith.constant 3 : index
    %get3A_97 = vector.load %arg5[%get3A_95, %get3A_96] : memref<24x24xf32, #tpu.memory_space<vmem>>, vector<24x1xf32>
    %slice3A_98 = vector.extract_strided_slice %exp3A {offsets = [3, 0], sizes = [1, 512], strides = [1, 1]} : vector<24x512xf32> to vector<1x512xf32>
    %mul3A_99 = vector.broadcast %get3A_94 : vector<24x1xf32> to vector<24x512xf32>
    %mul3A_100 = arith.mulf %mul3A_99, %exp3A : vector<24x512xf32>
    %mul3A_101 = vector.broadcast %get3A_97 : vector<24x1xf32> to vector<24x512xf32>
    %mul3A_102 = vector.broadcast %slice3A_98 : vector<1x512xf32> to vector<24x512xf32>
    %mul3A_103 = arith.mulf %mul3A_101, %mul3A_102 : vector<24x512xf32>
    %add3A_104 = arith.addf %mul3A_100, %mul3A_103 : vector<24x512xf32>
    %eq3A_105 = arith.constant 3 : i32
    %eq3A_106 = vector.broadcast %eq3A_105 : i32 to vector<24x1xi32>
    %eq3A_107 = arith.cmpi eq, %iota3A, %eq3A_106 : vector<24x1xi32>
    %jit3A_108 = arith.constant 1.000000e+00 : f32
    %broadcast_in_dim3A_109 = vector.shape_cast %eq3A_107 : vector<24x1xi1> to vector<24x1xi1>
    %broadcast_in_dim3A_110 = vector.broadcast %broadcast_in_dim3A_109 : vector<24x1xi1> to vector<24x512xi1>
    %broadcast_in_dim3A_111 = vector.broadcast %jit3A_108 : f32 to vector<24x512xf32>
    %select_n3A_112 = arith.select %broadcast_in_dim3A_110, %broadcast_in_dim3A_111, %add3A_104 : vector<24x512xi1>, vector<24x512xf32>
    %log3A_113 = math.log %select_n3A_112 : vector<24x512xf32>
    %mul3A_114 = vector.broadcast %get3A_1 : f32 to vector<24x512xf32>
    %mul3A_115 = arith.mulf %mul3A_114, %log3A_113 : vector<24x512xf32>
    %exp3A_116 = math.exp %mul3A_115 : vector<24x512xf32>
    %mul3A_117 = vector.broadcast %get3A_94 : vector<24x1xf32> to vector<24x512xf32>
    %mul3A_118 = arith.mulf %mul3A_117, %exp3A_116 : vector<24x512xf32>
    %add3A_119 = arith.addf %add3A_91, %mul3A_118 : vector<24x512xf32>
    %get3A_120 = arith.constant 0 : index
    %get3A_121 = arith.constant 4 : index
    %get3A_122 = vector.load %arg4[%get3A_120, %get3A_121] : memref<24x24xf32, #tpu.memory_space<vmem>>, vector<24x1xf32>
    %get3A_123 = arith.constant 0 : index
    %get3A_124 = arith.constant 4 : index
    %get3A_125 = vector.load %arg5[%get3A_123, %get3A_124] : memref<24x24xf32, #tpu.memory_space<vmem>>, vector<24x1xf32>
    %slice3A_126 = vector.extract_strided_slice %exp3A {offsets = [4, 0], sizes = [1, 512], strides = [1, 1]} : vector<24x512xf32> to vector<1x512xf32>
    %mul3A_127 = vector.broadcast %get3A_122 : vector<24x1xf32> to vector<24x512xf32>
    %mul3A_128 = arith.mulf %mul3A_127, %exp3A : vector<24x512xf32>
    %mul3A_129 = vector.broadcast %get3A_125 : vector<24x1xf32> to vector<24x512xf32>
    %mul3A_130 = vector.broadcast %slice3A_126 : vector<1x512xf32> to vector<24x512xf32>
    %mul3A_131 = arith.mulf %mul3A_129, %mul3A_130 : vector<24x512xf32>
    %add3A_132 = arith.addf %mul3A_128, %mul3A_131 : vector<24x512xf32>
    %eq3A_133 = arith.constant 4 : i32
    %eq3A_134 = vector.broadcast %eq3A_133 : i32 to vector<24x1xi32>
    %eq3A_135 = arith.cmpi eq, %iota3A, %eq3A_134 : vector<24x1xi32>
    %jit3A_136 = arith.constant 1.000000e+00 : f32
    %broadcast_in_dim3A_137 = vector.shape_cast %eq3A_135 : vector<24x1xi1> to vector<24x1xi1>
    %broadcast_in_dim3A_138 = vector.broadcast %broadcast_in_dim3A_137 : vector<24x1xi1> to vector<24x512xi1>
    %broadcast_in_dim3A_139 = vector.broadcast %jit3A_136 : f32 to vector<24x512xf32>
    %select_n3A_140 = arith.select %broadcast_in_dim3A_138, %broadcast_in_dim3A_139, %add3A_132 : vector<24x512xi1>, vector<24x512xf32>
    %log3A_141 = math.log %select_n3A_140 : vector<24x512xf32>
    %mul3A_142 = vector.broadcast %get3A_1 : f32 to vector<24x512xf32>
    %mul3A_143 = arith.mulf %mul3A_142, %log3A_141 : vector<24x512xf32>
    %exp3A_144 = math.exp %mul3A_143 : vector<24x512xf32>
    %mul3A_145 = vector.broadcast %get3A_122 : vector<24x1xf32> to vector<24x512xf32>
    %mul3A_146 = arith.mulf %mul3A_145, %exp3A_144 : vector<24x512xf32>
    %add3A_147 = arith.addf %add3A_119, %mul3A_146 : vector<24x512xf32>
    %get3A_148 = arith.constant 0 : index
    %get3A_149 = arith.constant 5 : index
    %get3A_150 = vector.load %arg4[%get3A_148, %get3A_149] : memref<24x24xf32, #tpu.memory_space<vmem>>, vector<24x1xf32>
    %get3A_151 = arith.constant 0 : index
    %get3A_152 = arith.constant 5 : index
    %get3A_153 = vector.load %arg5[%get3A_151, %get3A_152] : memref<24x24xf32, #tpu.memory_space<vmem>>, vector<24x1xf32>
    %slice3A_154 = vector.extract_strided_slice %exp3A {offsets = [5, 0], sizes = [1, 512], strides = [1, 1]} : vector<24x512xf32> to vector<1x512xf32>
    %mul3A_155 = vector.broadcast %get3A_150 : vector<24x1xf32> to vector<24x512xf32>
    %mul3A_156 = arith.mulf %mul3A_155, %exp3A : vector<24x512xf32>
    %mul3A_157 = vector.broadcast %get3A_153 : vector<24x1xf32> to vector<24x512xf32>
    %mul3A_158 = vector.broadcast %slice3A_154 : vector<1x512xf32> to vector<24x512xf32>
    %mul3A_159 = arith.mulf %mul3A_157, %mul3A_158 : vector<24x512xf32>
    %add3A_160 = arith.addf %mul3A_156, %mul3A_159 : vector<24x512xf32>
    %eq3A_161 = arith.constant 5 : i32
    %eq3A_162 = vector.broadcast %eq3A_161 : i32 to vector<24x1xi32>
    %eq3A_163 = arith.cmpi eq, %iota3A, %eq3A_162 : vector<24x1xi32>
    %jit3A_164 = arith.constant 1.000000e+00 : f32
    %broadcast_in_dim3A_165 = vector.shape_cast %eq3A_163 : vector<24x1xi1> to vector<24x1xi1>
    %broadcast_in_dim3A_166 = vector.broadcast %broadcast_in_dim3A_165 : vector<24x1xi1> to vector<24x512xi1>
    %broadcast_in_dim3A_167 = vector.broadcast %jit3A_164 : f32 to vector<24x512xf32>
    %select_n3A_168 = arith.select %broadcast_in_dim3A_166, %broadcast_in_dim3A_167, %add3A_160 : vector<24x512xi1>, vector<24x512xf32>
    %log3A_169 = math.log %select_n3A_168 : vector<24x512xf32>
    %mul3A_170 = vector.broadcast %get3A_1 : f32 to vector<24x512xf32>
    %mul3A_171 = arith.mulf %mul3A_170, %log3A_169 : vector<24x512xf32>
    %exp3A_172 = math.exp %mul3A_171 : vector<24x512xf32>
    %mul3A_173 = vector.broadcast %get3A_150 : vector<24x1xf32> to vector<24x512xf32>
    %mul3A_174 = arith.mulf %mul3A_173, %exp3A_172 : vector<24x512xf32>
    %add3A_175 = arith.addf %add3A_147, %mul3A_174 : vector<24x512xf32>
    %get3A_176 = arith.constant 0 : index
    %get3A_177 = arith.constant 6 : index
    %get3A_178 = vector.load %arg4[%get3A_176, %get3A_177] : memref<24x24xf32, #tpu.memory_space<vmem>>, vector<24x1xf32>
    %get3A_179 = arith.constant 0 : index
    %get3A_180 = arith.constant 6 : index
    %get3A_181 = vector.load %arg5[%get3A_179, %get3A_180] : memref<24x24xf32, #tpu.memory_space<vmem>>, vector<24x1xf32>
    %slice3A_182 = vector.extract_strided_slice %exp3A {offsets = [6, 0], sizes = [1, 512], strides = [1, 1]} : vector<24x512xf32> to vector<1x512xf32>
    %mul3A_183 = vector.broadcast %get3A_178 : vector<24x1xf32> to vector<24x512xf32>
    %mul3A_184 = arith.mulf %mul3A_183, %exp3A : vector<24x512xf32>
    %mul3A_185 = vector.broadcast %get3A_181 : vector<24x1xf32> to vector<24x512xf32>
    %mul3A_186 = vector.broadcast %slice3A_182 : vector<1x512xf32> to vector<24x512xf32>
    %mul3A_187 = arith.mulf %mul3A_185, %mul3A_186 : vector<24x512xf32>
    %add3A_188 = arith.addf %mul3A_184, %mul3A_187 : vector<24x512xf32>
    %eq3A_189 = arith.constant 6 : i32
    %eq3A_190 = vector.broadcast %eq3A_189 : i32 to vector<24x1xi32>
    %eq3A_191 = arith.cmpi eq, %iota3A, %eq3A_190 : vector<24x1xi32>
    %jit3A_192 = arith.constant 1.000000e+00 : f32
    %broadcast_in_dim3A_193 = vector.shape_cast %eq3A_191 : vector<24x1xi1> to vector<24x1xi1>
    %broadcast_in_dim3A_194 = vector.broadcast %broadcast_in_dim3A_193 : vector<24x1xi1> to vector<24x512xi1>
    %broadcast_in_dim3A_195 = vector.broadcast %jit3A_192 : f32 to vector<24x512xf32>
    %select_n3A_196 = arith.select %broadcast_in_dim3A_194, %broadcast_in_dim3A_195, %add3A_188 : vector<24x512xi1>, vector<24x512xf32>
    %log3A_197 = math.log %select_n3A_196 : vector<24x512xf32>
    %mul3A_198 = vector.broadcast %get3A_1 : f32 to vector<24x512xf32>
    %mul3A_199 = arith.mulf %mul3A_198, %log3A_197 : vector<24x512xf32>
    %exp3A_200 = math.exp %mul3A_199 : vector<24x512xf32>
    %mul3A_201 = vector.broadcast %get3A_178 : vector<24x1xf32> to vector<24x512xf32>
    %mul3A_202 = arith.mulf %mul3A_201, %exp3A_200 : vector<24x512xf32>
    %add3A_203 = arith.addf %add3A_175, %mul3A_202 : vector<24x512xf32>
    %get3A_204 = arith.constant 0 : index
    %get3A_205 = arith.constant 7 : index
    %get3A_206 = vector.load %arg4[%get3A_204, %get3A_205] : memref<24x24xf32, #tpu.memory_space<vmem>>, vector<24x1xf32>
    %get3A_207 = arith.constant 0 : index
    %get3A_208 = arith.constant 7 : index
    %get3A_209 = vector.load %arg5[%get3A_207, %get3A_208] : memref<24x24xf32, #tpu.memory_space<vmem>>, vector<24x1xf32>
    %slice3A_210 = vector.extract_strided_slice %exp3A {offsets = [7, 0], sizes = [1, 512], strides = [1, 1]} : vector<24x512xf32> to vector<1x512xf32>
    %mul3A_211 = vector.broadcast %get3A_206 : vector<24x1xf32> to vector<24x512xf32>
    %mul3A_212 = arith.mulf %mul3A_211, %exp3A : vector<24x512xf32>
    %mul3A_213 = vector.broadcast %get3A_209 : vector<24x1xf32> to vector<24x512xf32>
    %mul3A_214 = vector.broadcast %slice3A_210 : vector<1x512xf32> to vector<24x512xf32>
    %mul3A_215 = arith.mulf %mul3A_213, %mul3A_214 : vector<24x512xf32>
    %add3A_216 = arith.addf %mul3A_212, %mul3A_215 : vector<24x512xf32>
    %eq3A_217 = arith.constant 7 : i32
    %eq3A_218 = vector.broadcast %eq3A_217 : i32 to vector<24x1xi32>
    %eq3A_219 = arith.cmpi eq, %iota3A, %eq3A_218 : vector<24x1xi32>
    %jit3A_220 = arith.constant 1.000000e+00 : f32
    %broadcast_in_dim3A_221 = vector.shape_cast %eq3A_219 : vector<24x1xi1> to vector<24x1xi1>
    %broadcast_in_dim3A_222 = vector.broadcast %broadcast_in_dim3A_221 : vector<24x1xi1> to vector<24x512xi1>
    %broadcast_in_dim3A_223 = vector.broadcast %jit3A_220 : f32 to vector<24x512xf32>
    %select_n3A_224 = arith.select %broadcast_in_dim3A_222, %broadcast_in_dim3A_223, %add3A_216 : vector<24x512xi1>, vector<24x512xf32>
    %log3A_225 = math.log %select_n3A_224 : vector<24x512xf32>
    %mul3A_226 = vector.broadcast %get3A_1 : f32 to vector<24x512xf32>
    %mul3A_227 = arith.mulf %mul3A_226, %log3A_225 : vector<24x512xf32>
    %exp3A_228 = math.exp %mul3A_227 : vector<24x512xf32>
    %mul3A_229 = vector.broadcast %get3A_206 : vector<24x1xf32> to vector<24x512xf32>
    %mul3A_230 = arith.mulf %mul3A_229, %exp3A_228 : vector<24x512xf32>
    %add3A_231 = arith.addf %add3A_203, %mul3A_230 : vector<24x512xf32>
    %get3A_232 = arith.constant 0 : index
    %get3A_233 = arith.constant 8 : index
    %get3A_234 = vector.load %arg4[%get3A_232, %get3A_233] : memref<24x24xf32, #tpu.memory_space<vmem>>, vector<24x1xf32>
    %get3A_235 = arith.constant 0 : index
    %get3A_236 = arith.constant 8 : index
    %get3A_237 = vector.load %arg5[%get3A_235, %get3A_236] : memref<24x24xf32, #tpu.memory_space<vmem>>, vector<24x1xf32>
    %slice3A_238 = vector.extract_strided_slice %exp3A {offsets = [8, 0], sizes = [1, 512], strides = [1, 1]} : vector<24x512xf32> to vector<1x512xf32>
    %mul3A_239 = vector.broadcast %get3A_234 : vector<24x1xf32> to vector<24x512xf32>
    %mul3A_240 = arith.mulf %mul3A_239, %exp3A : vector<24x512xf32>
    %mul3A_241 = vector.broadcast %get3A_237 : vector<24x1xf32> to vector<24x512xf32>
    %mul3A_242 = vector.broadcast %slice3A_238 : vector<1x512xf32> to vector<24x512xf32>
    %mul3A_243 = arith.mulf %mul3A_241, %mul3A_242 : vector<24x512xf32>
    %add3A_244 = arith.addf %mul3A_240, %mul3A_243 : vector<24x512xf32>
    %eq3A_245 = arith.constant 8 : i32
    %eq3A_246 = vector.broadcast %eq3A_245 : i32 to vector<24x1xi32>
    %eq3A_247 = arith.cmpi eq, %iota3A, %eq3A_246 : vector<24x1xi32>
    %jit3A_248 = arith.constant 1.000000e+00 : f32
    %broadcast_in_dim3A_249 = vector.shape_cast %eq3A_247 : vector<24x1xi1> to vector<24x1xi1>
    %broadcast_in_dim3A_250 = vector.broadcast %broadcast_in_dim3A_249 : vector<24x1xi1> to vector<24x512xi1>
    %broadcast_in_dim3A_251 = vector.broadcast %jit3A_248 : f32 to vector<24x512xf32>
    %select_n3A_252 = arith.select %broadcast_in_dim3A_250, %broadcast_in_dim3A_251, %add3A_244 : vector<24x512xi1>, vector<24x512xf32>
    %log3A_253 = math.log %select_n3A_252 : vector<24x512xf32>
    %mul3A_254 = vector.broadcast %get3A_1 : f32 to vector<24x512xf32>
    %mul3A_255 = arith.mulf %mul3A_254, %log3A_253 : vector<24x512xf32>
    %exp3A_256 = math.exp %mul3A_255 : vector<24x512xf32>
    %mul3A_257 = vector.broadcast %get3A_234 : vector<24x1xf32> to vector<24x512xf32>
    %mul3A_258 = arith.mulf %mul3A_257, %exp3A_256 : vector<24x512xf32>
    %add3A_259 = arith.addf %add3A_231, %mul3A_258 : vector<24x512xf32>
    %get3A_260 = arith.constant 0 : index
    %get3A_261 = arith.constant 9 : index
    %get3A_262 = vector.load %arg4[%get3A_260, %get3A_261] : memref<24x24xf32, #tpu.memory_space<vmem>>, vector<24x1xf32>
    %get3A_263 = arith.constant 0 : index
    %get3A_264 = arith.constant 9 : index
    %get3A_265 = vector.load %arg5[%get3A_263, %get3A_264] : memref<24x24xf32, #tpu.memory_space<vmem>>, vector<24x1xf32>
    %slice3A_266 = vector.extract_strided_slice %exp3A {offsets = [9, 0], sizes = [1, 512], strides = [1, 1]} : vector<24x512xf32> to vector<1x512xf32>
    %mul3A_267 = vector.broadcast %get3A_262 : vector<24x1xf32> to vector<24x512xf32>
    %mul3A_268 = arith.mulf %mul3A_267, %exp3A : vector<24x512xf32>
    %mul3A_269 = vector.broadcast %get3A_265 : vector<24x1xf32> to vector<24x512xf32>
    %mul3A_270 = vector.broadcast %slice3A_266 : vector<1x512xf32> to vector<24x512xf32>
    %mul3A_271 = arith.mulf %mul3A_269, %mul3A_270 : vector<24x512xf32>
    %add3A_272 = arith.addf %mul3A_268, %mul3A_271 : vector<24x512xf32>
    %eq3A_273 = arith.constant 9 : i32
    %eq3A_274 = vector.broadcast %eq3A_273 : i32 to vector<24x1xi32>
    %eq3A_275 = arith.cmpi eq, %iota3A, %eq3A_274 : vector<24x1xi32>
    %jit3A_276 = arith.constant 1.000000e+00 : f32
    %broadcast_in_dim3A_277 = vector.shape_cast %eq3A_275 : vector<24x1xi1> to vector<24x1xi1>
    %broadcast_in_dim3A_278 = vector.broadcast %broadcast_in_dim3A_277 : vector<24x1xi1> to vector<24x512xi1>
    %broadcast_in_dim3A_279 = vector.broadcast %jit3A_276 : f32 to vector<24x512xf32>
    %select_n3A_280 = arith.select %broadcast_in_dim3A_278, %broadcast_in_dim3A_279, %add3A_272 : vector<24x512xi1>, vector<24x512xf32>
    %log3A_281 = math.log %select_n3A_280 : vector<24x512xf32>
    %mul3A_282 = vector.broadcast %get3A_1 : f32 to vector<24x512xf32>
    %mul3A_283 = arith.mulf %mul3A_282, %log3A_281 : vector<24x512xf32>
    %exp3A_284 = math.exp %mul3A_283 : vector<24x512xf32>
    %mul3A_285 = vector.broadcast %get3A_262 : vector<24x1xf32> to vector<24x512xf32>
    %mul3A_286 = arith.mulf %mul3A_285, %exp3A_284 : vector<24x512xf32>
    %add3A_287 = arith.addf %add3A_259, %mul3A_286 : vector<24x512xf32>
    %get3A_288 = arith.constant 0 : index
    %get3A_289 = arith.constant 10 : index
    %get3A_290 = vector.load %arg4[%get3A_288, %get3A_289] : memref<24x24xf32, #tpu.memory_space<vmem>>, vector<24x1xf32>
    %get3A_291 = arith.constant 0 : index
    %get3A_292 = arith.constant 10 : index
    %get3A_293 = vector.load %arg5[%get3A_291, %get3A_292] : memref<24x24xf32, #tpu.memory_space<vmem>>, vector<24x1xf32>
    %slice3A_294 = vector.extract_strided_slice %exp3A {offsets = [10, 0], sizes = [1, 512], strides = [1, 1]} : vector<24x512xf32> to vector<1x512xf32>
    %mul3A_295 = vector.broadcast %get3A_290 : vector<24x1xf32> to vector<24x512xf32>
    %mul3A_296 = arith.mulf %mul3A_295, %exp3A : vector<24x512xf32>
    %mul3A_297 = vector.broadcast %get3A_293 : vector<24x1xf32> to vector<24x512xf32>
    %mul3A_298 = vector.broadcast %slice3A_294 : vector<1x512xf32> to vector<24x512xf32>
    %mul3A_299 = arith.mulf %mul3A_297, %mul3A_298 : vector<24x512xf32>
    %add3A_300 = arith.addf %mul3A_296, %mul3A_299 : vector<24x512xf32>
    %eq3A_301 = arith.constant 10 : i32
    %eq3A_302 = vector.broadcast %eq3A_301 : i32 to vector<24x1xi32>
    %eq3A_303 = arith.cmpi eq, %iota3A, %eq3A_302 : vector<24x1xi32>
    %jit3A_304 = arith.constant 1.000000e+00 : f32
    %broadcast_in_dim3A_305 = vector.shape_cast %eq3A_303 : vector<24x1xi1> to vector<24x1xi1>
    %broadcast_in_dim3A_306 = vector.broadcast %broadcast_in_dim3A_305 : vector<24x1xi1> to vector<24x512xi1>
    %broadcast_in_dim3A_307 = vector.broadcast %jit3A_304 : f32 to vector<24x512xf32>
    %select_n3A_308 = arith.select %broadcast_in_dim3A_306, %broadcast_in_dim3A_307, %add3A_300 : vector<24x512xi1>, vector<24x512xf32>
    %log3A_309 = math.log %select_n3A_308 : vector<24x512xf32>
    %mul3A_310 = vector.broadcast %get3A_1 : f32 to vector<24x512xf32>
    %mul3A_311 = arith.mulf %mul3A_310, %log3A_309 : vector<24x512xf32>
    %exp3A_312 = math.exp %mul3A_311 : vector<24x512xf32>
    %mul3A_313 = vector.broadcast %get3A_290 : vector<24x1xf32> to vector<24x512xf32>
    %mul3A_314 = arith.mulf %mul3A_313, %exp3A_312 : vector<24x512xf32>
    %add3A_315 = arith.addf %add3A_287, %mul3A_314 : vector<24x512xf32>
    %get3A_316 = arith.constant 0 : index
    %get3A_317 = arith.constant 11 : index
    %get3A_318 = vector.load %arg4[%get3A_316, %get3A_317] : memref<24x24xf32, #tpu.memory_space<vmem>>, vector<24x1xf32>
    %get3A_319 = arith.constant 0 : index
    %get3A_320 = arith.constant 11 : index
    %get3A_321 = vector.load %arg5[%get3A_319, %get3A_320] : memref<24x24xf32, #tpu.memory_space<vmem>>, vector<24x1xf32>
    %slice3A_322 = vector.extract_strided_slice %exp3A {offsets = [11, 0], sizes = [1, 512], strides = [1, 1]} : vector<24x512xf32> to vector<1x512xf32>
    %mul3A_323 = vector.broadcast %get3A_318 : vector<24x1xf32> to vector<24x512xf32>
    %mul3A_324 = arith.mulf %mul3A_323, %exp3A : vector<24x512xf32>
    %mul3A_325 = vector.broadcast %get3A_321 : vector<24x1xf32> to vector<24x512xf32>
    %mul3A_326 = vector.broadcast %slice3A_322 : vector<1x512xf32> to vector<24x512xf32>
    %mul3A_327 = arith.mulf %mul3A_325, %mul3A_326 : vector<24x512xf32>
    %add3A_328 = arith.addf %mul3A_324, %mul3A_327 : vector<24x512xf32>
    %eq3A_329 = arith.constant 11 : i32
    %eq3A_330 = vector.broadcast %eq3A_329 : i32 to vector<24x1xi32>
    %eq3A_331 = arith.cmpi eq, %iota3A, %eq3A_330 : vector<24x1xi32>
    %jit3A_332 = arith.constant 1.000000e+00 : f32
    %broadcast_in_dim3A_333 = vector.shape_cast %eq3A_331 : vector<24x1xi1> to vector<24x1xi1>
    %broadcast_in_dim3A_334 = vector.broadcast %broadcast_in_dim3A_333 : vector<24x1xi1> to vector<24x512xi1>
    %broadcast_in_dim3A_335 = vector.broadcast %jit3A_332 : f32 to vector<24x512xf32>
    %select_n3A_336 = arith.select %broadcast_in_dim3A_334, %broadcast_in_dim3A_335, %add3A_328 : vector<24x512xi1>, vector<24x512xf32>
    %log3A_337 = math.log %select_n3A_336 : vector<24x512xf32>
    %mul3A_338 = vector.broadcast %get3A_1 : f32 to vector<24x512xf32>
    %mul3A_339 = arith.mulf %mul3A_338, %log3A_337 : vector<24x512xf32>
    %exp3A_340 = math.exp %mul3A_339 : vector<24x512xf32>
    %mul3A_341 = vector.broadcast %get3A_318 : vector<24x1xf32> to vector<24x512xf32>
    %mul3A_342 = arith.mulf %mul3A_341, %exp3A_340 : vector<24x512xf32>
    %add3A_343 = arith.addf %add3A_315, %mul3A_342 : vector<24x512xf32>
    %get3A_344 = arith.constant 0 : index
    %get3A_345 = arith.constant 12 : index
    %get3A_346 = vector.load %arg4[%get3A_344, %get3A_345] : memref<24x24xf32, #tpu.memory_space<vmem>>, vector<24x1xf32>
    %get3A_347 = arith.constant 0 : index
    %get3A_348 = arith.constant 12 : index
    %get3A_349 = vector.load %arg5[%get3A_347, %get3A_348] : memref<24x24xf32, #tpu.memory_space<vmem>>, vector<24x1xf32>
    %slice3A_350 = vector.extract_strided_slice %exp3A {offsets = [12, 0], sizes = [1, 512], strides = [1, 1]} : vector<24x512xf32> to vector<1x512xf32>
    %mul3A_351 = vector.broadcast %get3A_346 : vector<24x1xf32> to vector<24x512xf32>
    %mul3A_352 = arith.mulf %mul3A_351, %exp3A : vector<24x512xf32>
    %mul3A_353 = vector.broadcast %get3A_349 : vector<24x1xf32> to vector<24x512xf32>
    %mul3A_354 = vector.broadcast %slice3A_350 : vector<1x512xf32> to vector<24x512xf32>
    %mul3A_355 = arith.mulf %mul3A_353, %mul3A_354 : vector<24x512xf32>
    %add3A_356 = arith.addf %mul3A_352, %mul3A_355 : vector<24x512xf32>
    %eq3A_357 = arith.constant 12 : i32
    %eq3A_358 = vector.broadcast %eq3A_357 : i32 to vector<24x1xi32>
    %eq3A_359 = arith.cmpi eq, %iota3A, %eq3A_358 : vector<24x1xi32>
    %jit3A_360 = arith.constant 1.000000e+00 : f32
    %broadcast_in_dim3A_361 = vector.shape_cast %eq3A_359 : vector<24x1xi1> to vector<24x1xi1>
    %broadcast_in_dim3A_362 = vector.broadcast %broadcast_in_dim3A_361 : vector<24x1xi1> to vector<24x512xi1>
    %broadcast_in_dim3A_363 = vector.broadcast %jit3A_360 : f32 to vector<24x512xf32>
    %select_n3A_364 = arith.select %broadcast_in_dim3A_362, %broadcast_in_dim3A_363, %add3A_356 : vector<24x512xi1>, vector<24x512xf32>
    %log3A_365 = math.log %select_n3A_364 : vector<24x512xf32>
    %mul3A_366 = vector.broadcast %get3A_1 : f32 to vector<24x512xf32>
    %mul3A_367 = arith.mulf %mul3A_366, %log3A_365 : vector<24x512xf32>
    %exp3A_368 = math.exp %mul3A_367 : vector<24x512xf32>
    %mul3A_369 = vector.broadcast %get3A_346 : vector<24x1xf32> to vector<24x512xf32>
    %mul3A_370 = arith.mulf %mul3A_369, %exp3A_368 : vector<24x512xf32>
    %add3A_371 = arith.addf %add3A_343, %mul3A_370 : vector<24x512xf32>
    %get3A_372 = arith.constant 0 : index
    %get3A_373 = arith.constant 13 : index
    %get3A_374 = vector.load %arg4[%get3A_372, %get3A_373] : memref<24x24xf32, #tpu.memory_space<vmem>>, vector<24x1xf32>
    %get3A_375 = arith.constant 0 : index
    %get3A_376 = arith.constant 13 : index
    %get3A_377 = vector.load %arg5[%get3A_375, %get3A_376] : memref<24x24xf32, #tpu.memory_space<vmem>>, vector<24x1xf32>
    %slice3A_378 = vector.extract_strided_slice %exp3A {offsets = [13, 0], sizes = [1, 512], strides = [1, 1]} : vector<24x512xf32> to vector<1x512xf32>
    %mul3A_379 = vector.broadcast %get3A_374 : vector<24x1xf32> to vector<24x512xf32>
    %mul3A_380 = arith.mulf %mul3A_379, %exp3A : vector<24x512xf32>
    %mul3A_381 = vector.broadcast %get3A_377 : vector<24x1xf32> to vector<24x512xf32>
    %mul3A_382 = vector.broadcast %slice3A_378 : vector<1x512xf32> to vector<24x512xf32>
    %mul3A_383 = arith.mulf %mul3A_381, %mul3A_382 : vector<24x512xf32>
    %add3A_384 = arith.addf %mul3A_380, %mul3A_383 : vector<24x512xf32>
    %eq3A_385 = arith.constant 13 : i32
    %eq3A_386 = vector.broadcast %eq3A_385 : i32 to vector<24x1xi32>
    %eq3A_387 = arith.cmpi eq, %iota3A, %eq3A_386 : vector<24x1xi32>
    %jit3A_388 = arith.constant 1.000000e+00 : f32
    %broadcast_in_dim3A_389 = vector.shape_cast %eq3A_387 : vector<24x1xi1> to vector<24x1xi1>
    %broadcast_in_dim3A_390 = vector.broadcast %broadcast_in_dim3A_389 : vector<24x1xi1> to vector<24x512xi1>
    %broadcast_in_dim3A_391 = vector.broadcast %jit3A_388 : f32 to vector<24x512xf32>
    %select_n3A_392 = arith.select %broadcast_in_dim3A_390, %broadcast_in_dim3A_391, %add3A_384 : vector<24x512xi1>, vector<24x512xf32>
    %log3A_393 = math.log %select_n3A_392 : vector<24x512xf32>
    %mul3A_394 = vector.broadcast %get3A_1 : f32 to vector<24x512xf32>
    %mul3A_395 = arith.mulf %mul3A_394, %log3A_393 : vector<24x512xf32>
    %exp3A_396 = math.exp %mul3A_395 : vector<24x512xf32>
    %mul3A_397 = vector.broadcast %get3A_374 : vector<24x1xf32> to vector<24x512xf32>
    %mul3A_398 = arith.mulf %mul3A_397, %exp3A_396 : vector<24x512xf32>
    %add3A_399 = arith.addf %add3A_371, %mul3A_398 : vector<24x512xf32>
    %get3A_400 = arith.constant 0 : index
    %get3A_401 = arith.constant 14 : index
    %get3A_402 = vector.load %arg4[%get3A_400, %get3A_401] : memref<24x24xf32, #tpu.memory_space<vmem>>, vector<24x1xf32>
    %get3A_403 = arith.constant 0 : index
    %get3A_404 = arith.constant 14 : index
    %get3A_405 = vector.load %arg5[%get3A_403, %get3A_404] : memref<24x24xf32, #tpu.memory_space<vmem>>, vector<24x1xf32>
    %slice3A_406 = vector.extract_strided_slice %exp3A {offsets = [14, 0], sizes = [1, 512], strides = [1, 1]} : vector<24x512xf32> to vector<1x512xf32>
    %mul3A_407 = vector.broadcast %get3A_402 : vector<24x1xf32> to vector<24x512xf32>
    %mul3A_408 = arith.mulf %mul3A_407, %exp3A : vector<24x512xf32>
    %mul3A_409 = vector.broadcast %get3A_405 : vector<24x1xf32> to vector<24x512xf32>
    %mul3A_410 = vector.broadcast %slice3A_406 : vector<1x512xf32> to vector<24x512xf32>
    %mul3A_411 = arith.mulf %mul3A_409, %mul3A_410 : vector<24x512xf32>
    %add3A_412 = arith.addf %mul3A_408, %mul3A_411 : vector<24x512xf32>
    %eq3A_413 = arith.constant 14 : i32
    %eq3A_414 = vector.broadcast %eq3A_413 : i32 to vector<24x1xi32>
    %eq3A_415 = arith.cmpi eq, %iota3A, %eq3A_414 : vector<24x1xi32>
    %jit3A_416 = arith.constant 1.000000e+00 : f32
    %broadcast_in_dim3A_417 = vector.shape_cast %eq3A_415 : vector<24x1xi1> to vector<24x1xi1>
    %broadcast_in_dim3A_418 = vector.broadcast %broadcast_in_dim3A_417 : vector<24x1xi1> to vector<24x512xi1>
    %broadcast_in_dim3A_419 = vector.broadcast %jit3A_416 : f32 to vector<24x512xf32>
    %select_n3A_420 = arith.select %broadcast_in_dim3A_418, %broadcast_in_dim3A_419, %add3A_412 : vector<24x512xi1>, vector<24x512xf32>
    %log3A_421 = math.log %select_n3A_420 : vector<24x512xf32>
    %mul3A_422 = vector.broadcast %get3A_1 : f32 to vector<24x512xf32>
    %mul3A_423 = arith.mulf %mul3A_422, %log3A_421 : vector<24x512xf32>
    %exp3A_424 = math.exp %mul3A_423 : vector<24x512xf32>
    %mul3A_425 = vector.broadcast %get3A_402 : vector<24x1xf32> to vector<24x512xf32>
    %mul3A_426 = arith.mulf %mul3A_425, %exp3A_424 : vector<24x512xf32>
    %add3A_427 = arith.addf %add3A_399, %mul3A_426 : vector<24x512xf32>
    %get3A_428 = arith.constant 0 : index
    %get3A_429 = arith.constant 15 : index
    %get3A_430 = vector.load %arg4[%get3A_428, %get3A_429] : memref<24x24xf32, #tpu.memory_space<vmem>>, vector<24x1xf32>
    %get3A_431 = arith.constant 0 : index
    %get3A_432 = arith.constant 15 : index
    %get3A_433 = vector.load %arg5[%get3A_431, %get3A_432] : memref<24x24xf32, #tpu.memory_space<vmem>>, vector<24x1xf32>
    %slice3A_434 = vector.extract_strided_slice %exp3A {offsets = [15, 0], sizes = [1, 512], strides = [1, 1]} : vector<24x512xf32> to vector<1x512xf32>
    %mul3A_435 = vector.broadcast %get3A_430 : vector<24x1xf32> to vector<24x512xf32>
    %mul3A_436 = arith.mulf %mul3A_435, %exp3A : vector<24x512xf32>
    %mul3A_437 = vector.broadcast %get3A_433 : vector<24x1xf32> to vector<24x512xf32>
    %mul3A_438 = vector.broadcast %slice3A_434 : vector<1x512xf32> to vector<24x512xf32>
    %mul3A_439 = arith.mulf %mul3A_437, %mul3A_438 : vector<24x512xf32>
    %add3A_440 = arith.addf %mul3A_436, %mul3A_439 : vector<24x512xf32>
    %eq3A_441 = arith.constant 15 : i32
    %eq3A_442 = vector.broadcast %eq3A_441 : i32 to vector<24x1xi32>
    %eq3A_443 = arith.cmpi eq, %iota3A, %eq3A_442 : vector<24x1xi32>
    %jit3A_444 = arith.constant 1.000000e+00 : f32
    %broadcast_in_dim3A_445 = vector.shape_cast %eq3A_443 : vector<24x1xi1> to vector<24x1xi1>
    %broadcast_in_dim3A_446 = vector.broadcast %broadcast_in_dim3A_445 : vector<24x1xi1> to vector<24x512xi1>
    %broadcast_in_dim3A_447 = vector.broadcast %jit3A_444 : f32 to vector<24x512xf32>
    %select_n3A_448 = arith.select %broadcast_in_dim3A_446, %broadcast_in_dim3A_447, %add3A_440 : vector<24x512xi1>, vector<24x512xf32>
    %log3A_449 = math.log %select_n3A_448 : vector<24x512xf32>
    %mul3A_450 = vector.broadcast %get3A_1 : f32 to vector<24x512xf32>
    %mul3A_451 = arith.mulf %mul3A_450, %log3A_449 : vector<24x512xf32>
    %exp3A_452 = math.exp %mul3A_451 : vector<24x512xf32>
    %mul3A_453 = vector.broadcast %get3A_430 : vector<24x1xf32> to vector<24x512xf32>
    %mul3A_454 = arith.mulf %mul3A_453, %exp3A_452 : vector<24x512xf32>
    %add3A_455 = arith.addf %add3A_427, %mul3A_454 : vector<24x512xf32>
    %get3A_456 = arith.constant 0 : index
    %get3A_457 = arith.constant 16 : index
    %get3A_458 = vector.load %arg4[%get3A_456, %get3A_457] : memref<24x24xf32, #tpu.memory_space<vmem>>, vector<24x1xf32>
    %get3A_459 = arith.constant 0 : index
    %get3A_460 = arith.constant 16 : index
    %get3A_461 = vector.load %arg5[%get3A_459, %get3A_460] : memref<24x24xf32, #tpu.memory_space<vmem>>, vector<24x1xf32>
    %slice3A_462 = vector.extract_strided_slice %exp3A {offsets = [16, 0], sizes = [1, 512], strides = [1, 1]} : vector<24x512xf32> to vector<1x512xf32>
    %mul3A_463 = vector.broadcast %get3A_458 : vector<24x1xf32> to vector<24x512xf32>
    %mul3A_464 = arith.mulf %mul3A_463, %exp3A : vector<24x512xf32>
    %mul3A_465 = vector.broadcast %get3A_461 : vector<24x1xf32> to vector<24x512xf32>
    %mul3A_466 = vector.broadcast %slice3A_462 : vector<1x512xf32> to vector<24x512xf32>
    %mul3A_467 = arith.mulf %mul3A_465, %mul3A_466 : vector<24x512xf32>
    %add3A_468 = arith.addf %mul3A_464, %mul3A_467 : vector<24x512xf32>
    %eq3A_469 = arith.constant 16 : i32
    %eq3A_470 = vector.broadcast %eq3A_469 : i32 to vector<24x1xi32>
    %eq3A_471 = arith.cmpi eq, %iota3A, %eq3A_470 : vector<24x1xi32>
    %jit3A_472 = arith.constant 1.000000e+00 : f32
    %broadcast_in_dim3A_473 = vector.shape_cast %eq3A_471 : vector<24x1xi1> to vector<24x1xi1>
    %broadcast_in_dim3A_474 = vector.broadcast %broadcast_in_dim3A_473 : vector<24x1xi1> to vector<24x512xi1>
    %broadcast_in_dim3A_475 = vector.broadcast %jit3A_472 : f32 to vector<24x512xf32>
    %select_n3A_476 = arith.select %broadcast_in_dim3A_474, %broadcast_in_dim3A_475, %add3A_468 : vector<24x512xi1>, vector<24x512xf32>
    %log3A_477 = math.log %select_n3A_476 : vector<24x512xf32>
    %mul3A_478 = vector.broadcast %get3A_1 : f32 to vector<24x512xf32>
    %mul3A_479 = arith.mulf %mul3A_478, %log3A_477 : vector<24x512xf32>
    %exp3A_480 = math.exp %mul3A_479 : vector<24x512xf32>
    %mul3A_481 = vector.broadcast %get3A_458 : vector<24x1xf32> to vector<24x512xf32>
    %mul3A_482 = arith.mulf %mul3A_481, %exp3A_480 : vector<24x512xf32>
    %add3A_483 = arith.addf %add3A_455, %mul3A_482 : vector<24x512xf32>
    %get3A_484 = arith.constant 0 : index
    %get3A_485 = arith.constant 17 : index
    %get3A_486 = vector.load %arg4[%get3A_484, %get3A_485] : memref<24x24xf32, #tpu.memory_space<vmem>>, vector<24x1xf32>
    %get3A_487 = arith.constant 0 : index
    %get3A_488 = arith.constant 17 : index
    %get3A_489 = vector.load %arg5[%get3A_487, %get3A_488] : memref<24x24xf32, #tpu.memory_space<vmem>>, vector<24x1xf32>
    %slice3A_490 = vector.extract_strided_slice %exp3A {offsets = [17, 0], sizes = [1, 512], strides = [1, 1]} : vector<24x512xf32> to vector<1x512xf32>
    %mul3A_491 = vector.broadcast %get3A_486 : vector<24x1xf32> to vector<24x512xf32>
    %mul3A_492 = arith.mulf %mul3A_491, %exp3A : vector<24x512xf32>
    %mul3A_493 = vector.broadcast %get3A_489 : vector<24x1xf32> to vector<24x512xf32>
    %mul3A_494 = vector.broadcast %slice3A_490 : vector<1x512xf32> to vector<24x512xf32>
    %mul3A_495 = arith.mulf %mul3A_493, %mul3A_494 : vector<24x512xf32>
    %add3A_496 = arith.addf %mul3A_492, %mul3A_495 : vector<24x512xf32>
    %eq3A_497 = arith.constant 17 : i32
    %eq3A_498 = vector.broadcast %eq3A_497 : i32 to vector<24x1xi32>
    %eq3A_499 = arith.cmpi eq, %iota3A, %eq3A_498 : vector<24x1xi32>
    %jit3A_500 = arith.constant 1.000000e+00 : f32
    %broadcast_in_dim3A_501 = vector.shape_cast %eq3A_499 : vector<24x1xi1> to vector<24x1xi1>
    %broadcast_in_dim3A_502 = vector.broadcast %broadcast_in_dim3A_501 : vector<24x1xi1> to vector<24x512xi1>
    %broadcast_in_dim3A_503 = vector.broadcast %jit3A_500 : f32 to vector<24x512xf32>
    %select_n3A_504 = arith.select %broadcast_in_dim3A_502, %broadcast_in_dim3A_503, %add3A_496 : vector<24x512xi1>, vector<24x512xf32>
    %log3A_505 = math.log %select_n3A_504 : vector<24x512xf32>
    %mul3A_506 = vector.broadcast %get3A_1 : f32 to vector<24x512xf32>
    %mul3A_507 = arith.mulf %mul3A_506, %log3A_505 : vector<24x512xf32>
    %exp3A_508 = math.exp %mul3A_507 : vector<24x512xf32>
    %mul3A_509 = vector.broadcast %get3A_486 : vector<24x1xf32> to vector<24x512xf32>
    %mul3A_510 = arith.mulf %mul3A_509, %exp3A_508 : vector<24x512xf32>
    %add3A_511 = arith.addf %add3A_483, %mul3A_510 : vector<24x512xf32>
    %get3A_512 = arith.constant 0 : index
    %get3A_513 = arith.constant 18 : index
    %get3A_514 = vector.load %arg4[%get3A_512, %get3A_513] : memref<24x24xf32, #tpu.memory_space<vmem>>, vector<24x1xf32>
    %get3A_515 = arith.constant 0 : index
    %get3A_516 = arith.constant 18 : index
    %get3A_517 = vector.load %arg5[%get3A_515, %get3A_516] : memref<24x24xf32, #tpu.memory_space<vmem>>, vector<24x1xf32>
    %slice3A_518 = vector.extract_strided_slice %exp3A {offsets = [18, 0], sizes = [1, 512], strides = [1, 1]} : vector<24x512xf32> to vector<1x512xf32>
    %mul3A_519 = vector.broadcast %get3A_514 : vector<24x1xf32> to vector<24x512xf32>
    %mul3A_520 = arith.mulf %mul3A_519, %exp3A : vector<24x512xf32>
    %mul3A_521 = vector.broadcast %get3A_517 : vector<24x1xf32> to vector<24x512xf32>
    %mul3A_522 = vector.broadcast %slice3A_518 : vector<1x512xf32> to vector<24x512xf32>
    %mul3A_523 = arith.mulf %mul3A_521, %mul3A_522 : vector<24x512xf32>
    %add3A_524 = arith.addf %mul3A_520, %mul3A_523 : vector<24x512xf32>
    %eq3A_525 = arith.constant 18 : i32
    %eq3A_526 = vector.broadcast %eq3A_525 : i32 to vector<24x1xi32>
    %eq3A_527 = arith.cmpi eq, %iota3A, %eq3A_526 : vector<24x1xi32>
    %jit3A_528 = arith.constant 1.000000e+00 : f32
    %broadcast_in_dim3A_529 = vector.shape_cast %eq3A_527 : vector<24x1xi1> to vector<24x1xi1>
    %broadcast_in_dim3A_530 = vector.broadcast %broadcast_in_dim3A_529 : vector<24x1xi1> to vector<24x512xi1>
    %broadcast_in_dim3A_531 = vector.broadcast %jit3A_528 : f32 to vector<24x512xf32>
    %select_n3A_532 = arith.select %broadcast_in_dim3A_530, %broadcast_in_dim3A_531, %add3A_524 : vector<24x512xi1>, vector<24x512xf32>
    %log3A_533 = math.log %select_n3A_532 : vector<24x512xf32>
    %mul3A_534 = vector.broadcast %get3A_1 : f32 to vector<24x512xf32>
    %mul3A_535 = arith.mulf %mul3A_534, %log3A_533 : vector<24x512xf32>
    %exp3A_536 = math.exp %mul3A_535 : vector<24x512xf32>
    %mul3A_537 = vector.broadcast %get3A_514 : vector<24x1xf32> to vector<24x512xf32>
    %mul3A_538 = arith.mulf %mul3A_537, %exp3A_536 : vector<24x512xf32>
    %add3A_539 = arith.addf %add3A_511, %mul3A_538 : vector<24x512xf32>
    %get3A_540 = arith.constant 0 : index
    %get3A_541 = arith.constant 19 : index
    %get3A_542 = vector.load %arg4[%get3A_540, %get3A_541] : memref<24x24xf32, #tpu.memory_space<vmem>>, vector<24x1xf32>
    %get3A_543 = arith.constant 0 : index
    %get3A_544 = arith.constant 19 : index
    %get3A_545 = vector.load %arg5[%get3A_543, %get3A_544] : memref<24x24xf32, #tpu.memory_space<vmem>>, vector<24x1xf32>
    %slice3A_546 = vector.extract_strided_slice %exp3A {offsets = [19, 0], sizes = [1, 512], strides = [1, 1]} : vector<24x512xf32> to vector<1x512xf32>
    %mul3A_547 = vector.broadcast %get3A_542 : vector<24x1xf32> to vector<24x512xf32>
    %mul3A_548 = arith.mulf %mul3A_547, %exp3A : vector<24x512xf32>
    %mul3A_549 = vector.broadcast %get3A_545 : vector<24x1xf32> to vector<24x512xf32>
    %mul3A_550 = vector.broadcast %slice3A_546 : vector<1x512xf32> to vector<24x512xf32>
    %mul3A_551 = arith.mulf %mul3A_549, %mul3A_550 : vector<24x512xf32>
    %add3A_552 = arith.addf %mul3A_548, %mul3A_551 : vector<24x512xf32>
    %eq3A_553 = arith.constant 19 : i32
    %eq3A_554 = vector.broadcast %eq3A_553 : i32 to vector<24x1xi32>
    %eq3A_555 = arith.cmpi eq, %iota3A, %eq3A_554 : vector<24x1xi32>
    %jit3A_556 = arith.constant 1.000000e+00 : f32
    %broadcast_in_dim3A_557 = vector.shape_cast %eq3A_555 : vector<24x1xi1> to vector<24x1xi1>
    %broadcast_in_dim3A_558 = vector.broadcast %broadcast_in_dim3A_557 : vector<24x1xi1> to vector<24x512xi1>
    %broadcast_in_dim3A_559 = vector.broadcast %jit3A_556 : f32 to vector<24x512xf32>
    %select_n3A_560 = arith.select %broadcast_in_dim3A_558, %broadcast_in_dim3A_559, %add3A_552 : vector<24x512xi1>, vector<24x512xf32>
    %log3A_561 = math.log %select_n3A_560 : vector<24x512xf32>
    %mul3A_562 = vector.broadcast %get3A_1 : f32 to vector<24x512xf32>
    %mul3A_563 = arith.mulf %mul3A_562, %log3A_561 : vector<24x512xf32>
    %exp3A_564 = math.exp %mul3A_563 : vector<24x512xf32>
    %mul3A_565 = vector.broadcast %get3A_542 : vector<24x1xf32> to vector<24x512xf32>
    %mul3A_566 = arith.mulf %mul3A_565, %exp3A_564 : vector<24x512xf32>
    %add3A_567 = arith.addf %add3A_539, %mul3A_566 : vector<24x512xf32>
    %get3A_568 = arith.constant 0 : index
    %get3A_569 = arith.constant 20 : index
    %get3A_570 = vector.load %arg4[%get3A_568, %get3A_569] : memref<24x24xf32, #tpu.memory_space<vmem>>, vector<24x1xf32>
    %get3A_571 = arith.constant 0 : index
    %get3A_572 = arith.constant 20 : index
    %get3A_573 = vector.load %arg5[%get3A_571, %get3A_572] : memref<24x24xf32, #tpu.memory_space<vmem>>, vector<24x1xf32>
    %slice3A_574 = vector.extract_strided_slice %exp3A {offsets = [20, 0], sizes = [1, 512], strides = [1, 1]} : vector<24x512xf32> to vector<1x512xf32>
    %mul3A_575 = vector.broadcast %get3A_570 : vector<24x1xf32> to vector<24x512xf32>
    %mul3A_576 = arith.mulf %mul3A_575, %exp3A : vector<24x512xf32>
    %mul3A_577 = vector.broadcast %get3A_573 : vector<24x1xf32> to vector<24x512xf32>
    %mul3A_578 = vector.broadcast %slice3A_574 : vector<1x512xf32> to vector<24x512xf32>
    %mul3A_579 = arith.mulf %mul3A_577, %mul3A_578 : vector<24x512xf32>
    %add3A_580 = arith.addf %mul3A_576, %mul3A_579 : vector<24x512xf32>
    %eq3A_581 = arith.constant 20 : i32
    %eq3A_582 = vector.broadcast %eq3A_581 : i32 to vector<24x1xi32>
    %eq3A_583 = arith.cmpi eq, %iota3A, %eq3A_582 : vector<24x1xi32>
    %jit3A_584 = arith.constant 1.000000e+00 : f32
    %broadcast_in_dim3A_585 = vector.shape_cast %eq3A_583 : vector<24x1xi1> to vector<24x1xi1>
    %broadcast_in_dim3A_586 = vector.broadcast %broadcast_in_dim3A_585 : vector<24x1xi1> to vector<24x512xi1>
    %broadcast_in_dim3A_587 = vector.broadcast %jit3A_584 : f32 to vector<24x512xf32>
    %select_n3A_588 = arith.select %broadcast_in_dim3A_586, %broadcast_in_dim3A_587, %add3A_580 : vector<24x512xi1>, vector<24x512xf32>
    %log3A_589 = math.log %select_n3A_588 : vector<24x512xf32>
    %mul3A_590 = vector.broadcast %get3A_1 : f32 to vector<24x512xf32>
    %mul3A_591 = arith.mulf %mul3A_590, %log3A_589 : vector<24x512xf32>
    %exp3A_592 = math.exp %mul3A_591 : vector<24x512xf32>
    %mul3A_593 = vector.broadcast %get3A_570 : vector<24x1xf32> to vector<24x512xf32>
    %mul3A_594 = arith.mulf %mul3A_593, %exp3A_592 : vector<24x512xf32>
    %add3A_595 = arith.addf %add3A_567, %mul3A_594 : vector<24x512xf32>
    %get3A_596 = arith.constant 0 : index
    %get3A_597 = arith.constant 21 : index
    %get3A_598 = vector.load %arg4[%get3A_596, %get3A_597] : memref<24x24xf32, #tpu.memory_space<vmem>>, vector<24x1xf32>
    %get3A_599 = arith.constant 0 : index
    %get3A_600 = arith.constant 21 : index
    %get3A_601 = vector.load %arg5[%get3A_599, %get3A_600] : memref<24x24xf32, #tpu.memory_space<vmem>>, vector<24x1xf32>
    %slice3A_602 = vector.extract_strided_slice %exp3A {offsets = [21, 0], sizes = [1, 512], strides = [1, 1]} : vector<24x512xf32> to vector<1x512xf32>
    %mul3A_603 = vector.broadcast %get3A_598 : vector<24x1xf32> to vector<24x512xf32>
    %mul3A_604 = arith.mulf %mul3A_603, %exp3A : vector<24x512xf32>
    %mul3A_605 = vector.broadcast %get3A_601 : vector<24x1xf32> to vector<24x512xf32>
    %mul3A_606 = vector.broadcast %slice3A_602 : vector<1x512xf32> to vector<24x512xf32>
    %mul3A_607 = arith.mulf %mul3A_605, %mul3A_606 : vector<24x512xf32>
    %add3A_608 = arith.addf %mul3A_604, %mul3A_607 : vector<24x512xf32>
    %eq3A_609 = arith.constant 21 : i32
    %eq3A_610 = vector.broadcast %eq3A_609 : i32 to vector<24x1xi32>
    %eq3A_611 = arith.cmpi eq, %iota3A, %eq3A_610 : vector<24x1xi32>
    %jit3A_612 = arith.constant 1.000000e+00 : f32
    %broadcast_in_dim3A_613 = vector.shape_cast %eq3A_611 : vector<24x1xi1> to vector<24x1xi1>
    %broadcast_in_dim3A_614 = vector.broadcast %broadcast_in_dim3A_613 : vector<24x1xi1> to vector<24x512xi1>
    %broadcast_in_dim3A_615 = vector.broadcast %jit3A_612 : f32 to vector<24x512xf32>
    %select_n3A_616 = arith.select %broadcast_in_dim3A_614, %broadcast_in_dim3A_615, %add3A_608 : vector<24x512xi1>, vector<24x512xf32>
    %log3A_617 = math.log %select_n3A_616 : vector<24x512xf32>
    %mul3A_618 = vector.broadcast %get3A_1 : f32 to vector<24x512xf32>
    %mul3A_619 = arith.mulf %mul3A_618, %log3A_617 : vector<24x512xf32>
    %exp3A_620 = math.exp %mul3A_619 : vector<24x512xf32>
    %mul3A_621 = vector.broadcast %get3A_598 : vector<24x1xf32> to vector<24x512xf32>
    %mul3A_622 = arith.mulf %mul3A_621, %exp3A_620 : vector<24x512xf32>
    %add3A_623 = arith.addf %add3A_595, %mul3A_622 : vector<24x512xf32>
    %get3A_624 = arith.constant 0 : index
    %get3A_625 = arith.constant 22 : index
    %get3A_626 = vector.load %arg4[%get3A_624, %get3A_625] : memref<24x24xf32, #tpu.memory_space<vmem>>, vector<24x1xf32>
    %get3A_627 = arith.constant 0 : index
    %get3A_628 = arith.constant 22 : index
    %get3A_629 = vector.load %arg5[%get3A_627, %get3A_628] : memref<24x24xf32, #tpu.memory_space<vmem>>, vector<24x1xf32>
    %slice3A_630 = vector.extract_strided_slice %exp3A {offsets = [22, 0], sizes = [1, 512], strides = [1, 1]} : vector<24x512xf32> to vector<1x512xf32>
    %mul3A_631 = vector.broadcast %get3A_626 : vector<24x1xf32> to vector<24x512xf32>
    %mul3A_632 = arith.mulf %mul3A_631, %exp3A : vector<24x512xf32>
    %mul3A_633 = vector.broadcast %get3A_629 : vector<24x1xf32> to vector<24x512xf32>
    %mul3A_634 = vector.broadcast %slice3A_630 : vector<1x512xf32> to vector<24x512xf32>
    %mul3A_635 = arith.mulf %mul3A_633, %mul3A_634 : vector<24x512xf32>
    %add3A_636 = arith.addf %mul3A_632, %mul3A_635 : vector<24x512xf32>
    %eq3A_637 = arith.constant 22 : i32
    %eq3A_638 = vector.broadcast %eq3A_637 : i32 to vector<24x1xi32>
    %eq3A_639 = arith.cmpi eq, %iota3A, %eq3A_638 : vector<24x1xi32>
    %jit3A_640 = arith.constant 1.000000e+00 : f32
    %broadcast_in_dim3A_641 = vector.shape_cast %eq3A_639 : vector<24x1xi1> to vector<24x1xi1>
    %broadcast_in_dim3A_642 = vector.broadcast %broadcast_in_dim3A_641 : vector<24x1xi1> to vector<24x512xi1>
    %broadcast_in_dim3A_643 = vector.broadcast %jit3A_640 : f32 to vector<24x512xf32>
    %select_n3A_644 = arith.select %broadcast_in_dim3A_642, %broadcast_in_dim3A_643, %add3A_636 : vector<24x512xi1>, vector<24x512xf32>
    %log3A_645 = math.log %select_n3A_644 : vector<24x512xf32>
    %mul3A_646 = vector.broadcast %get3A_1 : f32 to vector<24x512xf32>
    %mul3A_647 = arith.mulf %mul3A_646, %log3A_645 : vector<24x512xf32>
    %exp3A_648 = math.exp %mul3A_647 : vector<24x512xf32>
    %mul3A_649 = vector.broadcast %get3A_626 : vector<24x1xf32> to vector<24x512xf32>
    %mul3A_650 = arith.mulf %mul3A_649, %exp3A_648 : vector<24x512xf32>
    %add3A_651 = arith.addf %add3A_623, %mul3A_650 : vector<24x512xf32>
    %get3A_652 = arith.constant 0 : index
    %get3A_653 = arith.constant 23 : index
    %get3A_654 = vector.load %arg4[%get3A_652, %get3A_653] : memref<24x24xf32, #tpu.memory_space<vmem>>, vector<24x1xf32>
    %get3A_655 = arith.constant 0 : index
    %get3A_656 = arith.constant 23 : index
    %get3A_657 = vector.load %arg5[%get3A_655, %get3A_656] : memref<24x24xf32, #tpu.memory_space<vmem>>, vector<24x1xf32>
    %slice3A_658 = vector.extract_strided_slice %exp3A {offsets = [23, 0], sizes = [1, 512], strides = [1, 1]} : vector<24x512xf32> to vector<1x512xf32>
    %mul3A_659 = vector.broadcast %get3A_654 : vector<24x1xf32> to vector<24x512xf32>
    %mul3A_660 = arith.mulf %mul3A_659, %exp3A : vector<24x512xf32>
    %mul3A_661 = vector.broadcast %get3A_657 : vector<24x1xf32> to vector<24x512xf32>
    %mul3A_662 = vector.broadcast %slice3A_658 : vector<1x512xf32> to vector<24x512xf32>
    %mul3A_663 = arith.mulf %mul3A_661, %mul3A_662 : vector<24x512xf32>
    %add3A_664 = arith.addf %mul3A_660, %mul3A_663 : vector<24x512xf32>
    %eq3A_665 = arith.constant 23 : i32
    %eq3A_666 = vector.broadcast %eq3A_665 : i32 to vector<24x1xi32>
    %eq3A_667 = arith.cmpi eq, %iota3A, %eq3A_666 : vector<24x1xi32>
    %jit3A_668 = arith.constant 1.000000e+00 : f32
    %broadcast_in_dim3A_669 = vector.shape_cast %eq3A_667 : vector<24x1xi1> to vector<24x1xi1>
    %broadcast_in_dim3A_670 = vector.broadcast %broadcast_in_dim3A_669 : vector<24x1xi1> to vector<24x512xi1>
    %broadcast_in_dim3A_671 = vector.broadcast %jit3A_668 : f32 to vector<24x512xf32>
    %select_n3A_672 = arith.select %broadcast_in_dim3A_670, %broadcast_in_dim3A_671, %add3A_664 : vector<24x512xi1>, vector<24x512xf32>
    %log3A_673 = math.log %select_n3A_672 : vector<24x512xf32>
    %mul3A_674 = vector.broadcast %get3A_1 : f32 to vector<24x512xf32>
    %mul3A_675 = arith.mulf %mul3A_674, %log3A_673 : vector<24x512xf32>
    %exp3A_676 = math.exp %mul3A_675 : vector<24x512xf32>
    %mul3A_677 = vector.broadcast %get3A_654 : vector<24x1xf32> to vector<24x512xf32>
    %mul3A_678 = arith.mulf %mul3A_677, %exp3A_676 : vector<24x512xf32>
    %add3A_679 = arith.addf %add3A_651, %mul3A_678 : vector<24x512xf32>
    %mul3A_680 = arith.mulf %exp3A, %add3A_679 : vector<24x512xf32>
    %reduce_sum3A = arith.constant dense<0.000000e+00> : vector<512xf32>
    %reduce_sum3A_681 = vector.multi_reduction <add>, %mul3A_680, %reduce_sum3A [0] : vector<24x512xf32> to vector<512xf32>
    %broadcast_in_dim3A_682 = vector.shape_cast %reduce_sum3A_681 : vector<512xf32> to vector<1x512xf32>
    %log3A_683 = math.log %mul3A_680 : vector<24x512xf32>
    %log3A_684 = math.log %broadcast_in_dim3A_682 : vector<1x512xf32>
    %sub3A = vector.broadcast %log3A_684 : vector<1x512xf32> to vector<24x512xf32>
    %sub3A_685 = arith.subf %log3A_683, %sub3A : vector<24x512xf32>
    %swap3A = arith.constant 0 : index
    %swap3A_686 = arith.constant 0 : index
    %swap3A_687 = vector.load %arg7[%swap3A, %swap3A_686] : memref<24x512xf32, #tpu.memory_space<vmem>>, vector<24x512xf32>
    tpu.vector_store %arg7[%swap3A, %swap3A_686], %sub3A_685 {strides = array<i32>} : memref<24x512xf32, #tpu.memory_space<vmem>>, vector<24x512xf32>,
    return
  }
  func.func @transform_0(%arg0: i32) -> (i32, i32) {
    %c0_i32 = arith.constant 0 : i32
    %c0_i32_0 = arith.constant 0 : i32
    return %arg0, %c0_i32 : i32, i32
  }
  func.func @transform_1(%arg0: i32) -> (i32, i32) {
    %c0_i32 = arith.constant 0 : i32
    %c0_i32_0 = arith.constant 0 : i32
    %c0_i32_1 = arith.constant 0 : i32
    return %c0_i32, %c0_i32_0 : i32, i32
  }
  func.func @transform_2(%arg0: i32) -> (i32, i32) {
    %c0_i32 = arith.constant 0 : i32
    %c0_i32_0 = arith.constant 0 : i32
    %c0_i32_1 = arith.constant 0 : i32
    return %c0_i32, %c0_i32_0 : i32, i32
  }
  func.func @transform_3(%arg0: i32) -> (i32, i32) {
    %c0_i32 = arith.constant 0 : i32
    %c0_i32_0 = arith.constant 0 : i32
    %c0_i32_1 = arith.constant 0 : i32
    return %c0_i32, %c0_i32_0 : i32, i32
  }
  func.func @transform_4(%arg0: i32) -> (i32, i32) {
    %c0_i32 = arith.constant 0 : i32
    %c0_i32_0 = arith.constant 0 : i32
    %c0_i32_1 = arith.constant 0 : i32
    return %c0_i32, %c0_i32_0 : i32, i32
  }
  func.func @transform_5(%arg0: i32) -> (i32, i32) {
    %c0_i32 = arith.constant 0 : i32
    %c0_i32_0 = arith.constant 0 : i32
    %c0_i32_1 = arith.constant 0 : i32
    return %c0_i32, %c0_i32_0 : i32, i32
  }
  func.func @transform_6(%arg0: i32) -> (i32, i32) {
    %c0_i32 = arith.constant 0 : i32
    %c0_i32_0 = arith.constant 0 : i32
    return %c0_i32, %arg0 : i32, i32
  }
}

</mosaic_0001>

<sc_bundles>
// kernel: sparse-core-data-format-call.cloned.1.call-start
scs
called_computation_lowered:
.L_overlay_start_0:
0x0: {  	s2 =	sld [smem:$0x3FD9]  }
0x1: {  	s3 =	sld [smem:$0x3FFE];
	_ =	sdelay $0x1  }
0x2: {  	s1 =	srdreg.scid  }
0x3: {  	s0 =	sand.u32 $0x1, s1  }
0x4: {  	s18 =	sshll.u32 s0, $0xA;
	s2 =	sadd.s32 s3, s2  }
0x5: {  	s2 =	sadd.s32 s2, s18  }
0x6: {  	[smem:$0x3FC1] =	sst s2  }
0x7: {  	_ = 	snop  }
0x8: {  	s2 =	sld [smem:$0x3FC9];
	(tm) =	ssettm $0x1  }
0x9: {  	s19 =	sld [smem:$0x3FFB];
	_ =	sdelay $0x3  }
0xa: {  	_ =	strace s19  }
0xb: {  	s3 =	sld [smem:$0x3FFC];
	_ =	sdelay $0x3  }
0xc: {  	_ =	strace s3  }
0xd: {  	s3 =	sld [smem:$0x3FFD];
	_ =	sdelay $0x3  }
0xe: {  	_ =	strace s3  }
0xf: {  	_ =	strace $0x8FFFFFFF  }
0x10: {  	s20 =	sld [smem:$0x3FDB];
	_ =	sdelay $0x1  }
0x11: {  	s4 =	simm.s32 $_scs_section_size  }
0x12: {  	s5 =	simm.s32 $_size__tile_overlayer_lowered;
	s6 =	simm.s32 $_tile_overlayer_lowered  }
0x13: {  	s23 =	simm.s32 $0x1BFF;
	s22 =	sshll.u32 s6, $0x1;
	s3 =	sadd.s32 s4, s20  }
0x14: {  	s7 =	simm.s32 $0x0;
	s21 =	sshll.u32 s5, $0x1;
	s5 =	sadd.s32 s22, s3  }
0x15: {  	[timem:s7], [sflag:s23] =	dma.local [hbm:s5], s21  }
0x16: {  	_ =	swait.ge [sflag:s23], s21  }
0x17: {  	s4 =	ssub.s32 $0x0, s21;
	[sflag:s23] =	ssyncset.done $0x0  }
0x18: {  	[sflag:s23] =	ssyncadd.s32 s4;
	_ =	sdelay $0x1  }
0x19: {  	s24 =	simm.s32 $0x1B8B  }
0x1a: {  	_ =	swait.ge [sflag:s24], $0x1  }
0x1b: {  	[sflag:s24] =	ssyncset.done $0x0  }
0x1c: {  	s26 =	simm.s32 $0x1B8E;
	s25 =	sld [smem:$0x3FFE];
	[sflag:s24] =	ssyncadd.s32 $0xFFFFFFFF  }
0x1d: {  	s27 =	simm.s32 $execute0_lowered;
	[smem:$0x3FD2] =	sst s26  }
0x1e: {  	s5 =	sshll.u32 s27, $0x1;
	_ =	strace $0x80000046;
	[dreg:$0x1] =	wrdreg $0xFFFFFFFF  }
0x1f: {  	s28 =	simm.s32 $_size_execute0_lowered;
	s3 =	sadd.s32 s3, s5;
	[dreg:$0x0] =	wrdreg $0x0  }
0x20: {  	s5 =	sshll.u32 s28, $0x1;
	[dreg:$0x2] =	wrdreg s3  }
0x21: {  	[dreg:$0x3] =	wrdreg s5  }
0x22: {  	[dreg:$0x4] =	wrdreg $0xC0  }
0x23: {  	_ =	task [dreg:s7], $0x5FFFF  }
0x24: {  	[dreg:$0x1] =	wrdreg $0xFFFFFFFF  }
0x25: {  	[dreg:$0x0] =	wrdreg $0x60  }
0x26: {  	[dreg:$0x2] =	wrdreg s2  }
0x27: {  	[dreg:$0x3] =	wrdreg s25  }
0x28: {  	[dreg:$0x4] =	wrdreg $0x9  }
0x29: {  	_ =	task.clear_ibuf [dreg:s7], $0x5FFFF;
	_ =	strace $0x90000046  }
0x2a: {  	s29 =	simm.s32 $0x9;
	_ =	strace $0x80000048  }
0x2b: {  	_ =	swait.ge [sflag:s29], $0x1  }
0x2c: {  	[sflag:s29] =	ssyncadd.s32 $0xFFFFFFFF  }
0x2d: {  	_ =	strace $0x90000048  }
0x2e: {  	_ =	sfence  }
0x2f: {  	s30 =	sld [smem:$0x0];
	_ =	sdelay $0x2  }
0x30: {  	s31 =	sshll.u32 s1, $0xD;
	s1 =	sshrl.u32 s1, $0x2  }
0x31: {  	s3 =	sand.u32 $0x4000, s31;
	s1 =	sadd.s32 s1, s30  }
0x32: {  	s0 =	sor.u32 s3, s0;
	s1 =	sshll.u32 s1, $0x11  }
0x33: {  	s0 =	sor.u32 s1, s0  }
0x34: {  	s0 =	sadd.s32 $0x8F2B, s0  }
0x35: {  	[sflag:s0] =	ssyncadd.remote.s32 $0x1  }
0x36: {  	_ =	sfence.sel $0xFFFF  }
0x37: {  	[dreg:$0x0] =	wrdreg $0xFFFFFFFF;
	(pc) =	sbr.abs _section_cstart, $3  }
0x38: {  	[dreg:$0x1] =	wrdreg $0xFFFFFFFF  }
0x39: {  	_ =	task.clear_ibuf [dreg:s7], $0x2FFFF;
	_ =	strace $0x9FFFFFFF  }
0x3a: {  	(tm) =	ssettm $0x7FFFFFFF  }
0x3b: {  	_ =	shalt  }
tec
execute0_lowered:
.L_overlay_start_1:
0x0: {  	(tag) =	ssettag $0x1  }
0x1: {  	s0 =	srdreg.scid  }
0x2: {  	s1 =	sshll.u32 s0, $0x4  }
0x3: {  	s0 =	stileid.u32;
	s1 =	sand.u32 $0x10, s1  }
0x4: {  	s3 =	rddreg [dreg:$0x0];
	s5 =	simm.s32 $0x1;
	s1 =	sor.u32 s0, s1  }
0x5: {  	s7 =	simm.s32 $0x2;
	s15 =	simm.s32 $0x0;
	s2 =	sshll.u32 s1, $0x1  }
0x6: {  	s8 =	simm.s32 $0x2000;
	s9 =	simm.s32 $0x6000;
	s1 =	ssub.s32 $0x800, s2  }
0x7: {  	s10 =	simm.s32 $0x0;
	s16 =	simm.s32 $0x0;
	s4 =	sand.u32 $0x3E, s1  }
0x8: {  	s17 =	simm.s32 $0x0;
	s6 =	sshrl.u32 s1, $0x6;
	p0 =	sne.s32 s4, $0x0  }
.Ltmp0:
0x9: {  	s1 =	rddreg [dreg:$0x2];
	s5 =	simm.s32 @!p0 $0x0;
	(pc) =	sbr.rel .LBB1_1-.Ltmp0, $4  }
0xa: {  	s11 =	simm.s32 $0x0;
	s4 =	rddreg [dreg:$0x1];
	s6 =	sadd.s32 s5, s6  }
0xb: {  	_ =	strace $0x80000047;
	s5 =	simm.s32 $0x1;
	s6 =	smul.u32 $0x3, s6  }
0xc: {  	s12 =	simm.s32 $0x0;
	s14 =	simm.s32 $0x0;
	[sflag:s5] =	ssyncpa.u1 $0x0  }
0xd: {  	s13 =	smov.u32 s2;
	[sflag:s7] =	ssyncpa.u1 $0x0;
	s7 =	sadd.s32 $0x1, s6  }
.LBB1_9:
0xe: {  	s18 =	sadd.s32 $0x8, s11  }
0xf: {  	s15 =	sadd.s32 $0x8, s12;
	s19 =	smov.u32 s12;
	p1 =	sgt.s32 s18, $0x17  }
0x10: {  	s19 =	smov.u32 @p1 s15  }
0x11: {  	s21 =	smov.u32 s13;
	s15 =	sadd.s32 $0x40, s13;
	p2 =	sgt.s32 s19, $0x7  }
0x12: {  	s21 =	smov.u32 @p2 s15  }
0x13: {  	s18 =	simm.s32 @p1 $0x0;
	p1 =	sgt.s32 s21, $0x7FF  }
0x14: {  	p0 =	slt.u32 s14, $0x2;
	s21 =	smov.u32 @p1 s2;
	p1 =	sne.s32 s14, s7  }
.Ltmp1:
0x15: {  	s20 =	simm.s32 @!p0 $0x2;
	(pc) =	sbr.rel @!p1 .LBB1_10-.Ltmp1, $4  }
0x16: {  	s16 =	smov.u32 s12;
	s17 =	smov.u32 s13;
	_ =	swait.ge @!p0 [sflag:s20], $0x4000  }
0x17: {  	s10 =	sadd.s32 $0x4000, s10;
	[sflag:s20] =	ssyncset.done @!p0 $0x0;
	s19 =	simm.s32 @p2 $0x0  }
0x18: {  	s15 =	smov.u32 s11;
	[sflag:s20] =	ssyncadd.s32 @!p0 $0xFFFFC000;
	s11 =	smov.u32 s18  }
0x19: {  	s12 =	smov.u32 s19;
	s14 =	sadd.s32 $0x1, s14;
	s13 =	smov.u32 s21  }
.LBB1_1:
0x1a: {  	p0 =	sge.u32 s14, s6  }
0x1b: {  	s18 =	sand.u32 @!p0 $0x1FFFFFF, s11;
	s20 =	smul.u32 @!p0 $0xC00, s13  }
0x1c: {  	s19 =	smulhi.u32 @!p0 $0xAAAAAAB, s18  }
0x1d: {  	s22 =	smul.u32 @!p0 $0x180, s12  }
0x1e: {  	s19 =	smul.u32 @!p0 $0x18, s19  }
0x1f: {  	s31 =	sadd.s32 $0xFFFFFFFF, s14;
	s20 =	sadd.s32 @!p0 s3, s20  }
0x20: {  	s21 =	sxor.u32 @!p0 $0xFFFFFFFF, s14;
	s20 =	sadd.s32 @!p0 s22, s20;
	s18 =	ssub.s32 @!p0 s18, s19  }
0x21: {  	s19 =	sshll.u32 @!p0 s21, $0xE;
	s21 =	simm.s32 @!p0 $0xC00;
	s18 =	sshll.u32 @!p0 s18, $0x4  }
0x22: {  	s19 =	sand.u32 @!p0 $0x4000, s19;
	s18 =	sadd.s32 @!p0 s18, s20;
	s20 =	simm.s32 @!p0 $0x400  }
0x23: {  	[tilespmem:s19], [sflag:$0x1] =	stream.strided.gather @!p0 [hbm4b:s18+s20], $0x4000, s21, s20, $0x38;
	[tilespmem:$0x10000] =	vst v63  }
0x24: {  	p0 =	sge.u32 s31, s6  }
.Ltmp2:
0x25: {  	_ = 	snop;
	(pc) =	sbr.rel @p0 .LBB1_9-.Ltmp2, $1  }
0x26: {  	_ =	sdelay $0x3  }
0x27: {  	s18 =	sshll.u32 s10, $0x2  }
0x28: {  	_ =	swait.ge [sflag:s5], $0x4000;
	s19 =	sshll.u32 s14, $0xE;
	s21 =	simm.s32 $0x0  }
0x29: {  	p1 =	por $0x1, $0x1;
	s18 =	sand.u32 $0x10000, s18;
	[sflag:s5] =	ssyncset.done $0x0  }
0x2a: {  	s19 =	sand.u32 $0x4000, s19;
	s20 =	sshrl.u32 s18, $0x2;
	[sflag:s5] =	ssyncadd.s32 $0xFFFFC000  }
0x2b: {  	s18 =	sor.u32 $0x8000, s19;
	s19 =	sadd.s32 $0x8040, s20;
	s20 =	sadd.s32 $0x40, s20  }
.LBB1_3:
0x2c: {  	s21 =	sshll.u32 s21, $0x2  }
0x2d: {  	p0 =	por p1, p1;
	s22 =	sshra.s32 s21, $0x2  }
0x2e: {  	s23 =	simm.s32 $0x0;
	s21 =	sadd.s32 s22, s19;
	s22 =	sadd.s32 s22, s20  }
.LBB1_4:
0x2f: {  	v0 =	vmov s22;
	_ =	sdelay $0x3  }
0x30: {  	s25 =	simm.s32 $0x0  }
0x31: {  	v6 =	vld.idx.msk [tilespmem:v0+s25+$0x30 ss:$0x1], $0xffff  }
0x32: {  	v7 =	vld.idx.msk [tilespmem:v0+s25+$0xFFFFFFC0 ss:$0x1], $0xffff  }
0x33: {  	v5 =	vld.idx.msk [tilespmem:v0+s25+$0xFFFFFFD0 ss:$0x1], $0xffff  }
0x34: {  	v4 =	vld.idx.msk [tilespmem:v0+s25+$0xFFFFFFE0 ss:$0x1], $0xffff  }
0x35: {  	v3 =	vld.idx.msk [tilespmem:v0+s25+$0xFFFFFFF0 ss:$0x1], $0xffff  }
0x36: {  	v1 =	vld.idx.msk [tilespmem:v0+s25+$0x0 ss:$0x1], $0xffff  }
0x37: {  	v2 =	vld.idx.msk [tilespmem:v0+s25+$0x10 ss:$0x1], $0xffff;
	[tilespmem:s21+$0x30] =	vst v6  }
0x38: {  	s24 =	simm.s32 $0x80;
	s26 =	simm.s32 $0x400;
	[tilespmem:s21+$0xFFFFFFC0] =	vst v7;
	v6 =	vld.idx.msk [tilespmem:v0+s25+$0x20 ss:$0x1], $0xffff;
	s25 =	smov.u32 s21  }
.LBB1_5:
0x39: {  	p1 =	sne.s32 s26, $0xE00;
	v7 =	vld.idx.msk [tilespmem:v0+s24+$0x30 ss:$0x1], $0xffff;
	[tilespmem:s25+$0xFFFFFFD0] =	vst v5  }
0x3a: {  	v8 =	vld.idx.msk [tilespmem:v0+s24+$0xFFFFFFC0 ss:$0x1], $0xffff;
	[tilespmem:s25+$0xFFFFFFE0] =	vst v4  }
0x3b: {  	v5 =	vld.idx.msk [tilespmem:v0+s24+$0xFFFFFFD0 ss:$0x1], $0xffff;
	[tilespmem:s25+$0xFFFFFFF0] =	vst v3  }
.Ltmp3:
0x3c: {  	v4 =	vld.idx.msk [tilespmem:v0+s24+$0xFFFFFFE0 ss:$0x1], $0xffff;
	[tilespmem:s25+$0x0] =	vst v1;
	(pc) =	sbr.rel @p1 .LBB1_5-.Ltmp3, $4  }
0x3d: {  	v3 =	vld.idx.msk [tilespmem:v0+s24+$0xFFFFFFF0 ss:$0x1], $0xffff;
	[tilespmem:s25+$0x10] =	vst v2  }
0x3e: {  	v1 =	vld.idx.msk [tilespmem:v0+s24+$0x0 ss:$0x1], $0xffff;
	[tilespmem:s25+$0x20] =	vst v6;
	s25 =	sadd.s32 $0x400, s25  }
0x3f: {  	v2 =	vld.idx.msk [tilespmem:v0+s24+$0x10 ss:$0x1], $0xffff;
	[tilespmem:s25+$0x30] =	vst v7  }
0x40: {  	[tilespmem:s25+$0xFFFFFFC0] =	vst v8;
	v6 =	vld.idx.msk [tilespmem:v0+s24+$0x20 ss:$0x1], $0xffff;
	s24 =	sshra.s32 s26, $0x2;
	s26 =	sadd.s32 $0x200, s26  }
0x41: {  	_ =	sdelay $0x2  }
0x42: {  	[tilespmem:s25+$0xFFFFFFD0] =	vst v5  }
0x43: {  	v56 =	vld.idx.msk [tilespmem:v0+s24+$0x30 ss:$0x1], $0xffff;
	[tilespmem:s25+$0xFFFFFFE0] =	vst v4  }
0x44: {  	v57 =	vld.idx.msk [tilespmem:v0+s24+$0xFFFFFFC0 ss:$0x1], $0xffff;
	[tilespmem:s25+$0xFFFFFFF0] =	vst v3  }
0x45: {  	v58 =	vld.idx.msk [tilespmem:v0+s24+$0xFFFFFFD0 ss:$0x1], $0xffff;
	[tilespmem:s25+$0x0] =	vst v1  }
0x46: {  	v59 =	vld.idx.msk [tilespmem:v0+s24+$0xFFFFFFE0 ss:$0x1], $0xffff;
	[tilespmem:s25+$0x10] =	vst v2  }
0x47: {  	v60 =	vld.idx.msk [tilespmem:v0+s24+$0xFFFFFFF0 ss:$0x1], $0xffff;
	s31 =	sadd.s32 $0x400, s25;
	[tilespmem:s25+$0x20] =	vst v6  }
0x48: {  	v61 =	vld.idx.msk [tilespmem:v0+s24+$0x0 ss:$0x1], $0xffff;
	[tilespmem:s31+$0x30] =	vst v56  }
0x49: {  	v62 =	vld.idx.msk [tilespmem:v0+s24+$0x10 ss:$0x1], $0xffff;
	s23 =	sadd.s32 $0x1, s23;
	[tilespmem:s31+$0xFFFFFFC0] =	vst v57  }
0x4a: {  	v63 =	vld.idx.msk [tilespmem:v0+s24+$0x20 ss:$0x1], $0xffff;
	p1 =	sne.s32 s23, $0x8;
	[tilespmem:s31+$0xFFFFFFD0] =	vst v58  }
.Ltmp4:
0x4b: {  	[tilespmem:s31+$0xFFFFFFE0] =	vst v59;
	(pc) =	sbr.rel @p1 .LBB1_4-.Ltmp4, $4  }
0x4c: {  	[tilespmem:s31+$0xFFFFFFF0] =	vst v60  }
0x4d: {  	[tilespmem:s31+$0x0] =	vst v61  }
0x4e: {  	[tilespmem:s31+$0x10] =	vst v62  }
0x4f: {  	s21 =	sadd.s32 $0x80, s21;
	s22 =	sadd.s32 $0x400, s22;
	[tilespmem:s31+$0x20] =	vst v63  }
.Ltmp5:
0x50: {  	(pc) =	sbr.rel @p0 .LBB1_3-.Ltmp5, $2  }
0x51: {  	_ =	sdelay $0x2  }
0x52: {  	s21 =	simm.s32 $0x2000;
	p1 =	por $0x0, $0x0  }
0x53: {  	s17 =	smul.u32 $0xC00, s17  }
.Ltmp6:
0x54: {  	_ = 	snop;
	(pc) =	sbr.rel .LBB1_9-.Ltmp6, $4  }
0x55: {  	s15 =	sshll.u32 s15, $0x7;
	s16 =	sshll.u32 s16, $0x4;
	s17 =	sadd.s32 s4, s17  }
0x56: {  	s16 =	sand.u32 $0x70, s16;
	s15 =	sadd.s32 s15, s17  }
0x57: {  	s15 =	sadd.s32 s16, s15  }
0x58: {  	[hbm4b:s15+s8] =	stream.strided.scatter [tilespmem:s18], [sflag:$0x2], $0x4000, s9, s8, $0x38;
	[tilespmem:$0x10000] =	vst v63  }
.LBB1_10:
0x59: {  	_ =	sfence.sel $0x180000  }
0x5a: {  	s2 =	simm.s32 $0x1;
	[bflag:$0x0] =	sbarrier.arrive $0xFFFF  }
0x5b: {  	s31 =	simm.s32 $0x2;
	[sflag:s2] =	ssyncpa.u1 $0x1  }
0x5c: {  	[sflag:s31] =	ssyncpa.u1 $0x1  }
0x5d: {  	p0 =	sne.s32 s0, $0x0;
	_ =	strace $0x90000047  }
0x5e: {  	s0 =	sadd.s32 @!p0 $0x100000, s1;
	[bflag:$0x2] =	sbarrier.arrive $0xFFFF  }
0x5f: {  	[sflag:s0] =	ssyncadd.tile.s32 @!p0 $0x1;
	_ =	shalt  }
.Lfunc_end1:
_tile_overlayer_lowered:
.L_overlay_start_2:
0x60: {  	(tag) =	ssettag $0x2  }
0x61: {  	s0 =	rddreg [dreg:$0x0];
	s2 =	stileid.u32  }
0x62: {  	s1 =	rddreg [dreg:$0x1];
	p0 =	sne.s32 s2, $0x0  }
0x63: {  	s3 =	rddreg [dreg:$0x2];
	[bflag:$0x3] =	sbarrier.arrive $0xFFFF;
	s2 =	simm.s32 @!p0 $0x1C01  }
0x64: {  	[timem:s3], [sflag:s2] =	dma.local @!p0 [hbm:s0], s1  }
0x65: {  	s0 =	simm.s32 @!p0 $0x1  }
0x66: {  	_ =	swait.ge @!p0 [sflag:s0], s1  }
0x67: {  	s1 =	ssub.s32 @!p0 $0x0, s1;
	[sflag:s0] =	ssyncset.done @!p0 $0x0  }
0x68: {  	[sflag:s0] =	ssyncadd.s32 @!p0 s1  }
0x69: {  	[bflag:$0x3] =	sbarrier.arrive $0xFFFF  }
0x6a: {  	_ =	shalt  }

</sc_bundles>
